<compile_context>
chip_gen: v7x
topology: tpu7x:2x2x1
jax: 0.10.2.dev20260603
libtpu: 0.0.44.dev20260713+nightly
codegen_flags: <defaults>
</compile_context>

<pallas_src>
import jax
import jax.numpy as jnp
from jax import lax
from jax.experimental import pallas as pl

_N = 10000
_E = 320000
_H = 256
_G = 5000
_DF = 128
_RD = 6
_HALF = _N // 2
_HPAD = 5120
_NP = 2 * _HPAD
_GHALF = _G // 2
_GPAD = 2560
_GP = 2 * _GPAD
_R = 256


def _emb_body(x_ref, deg_ref, wr_ref, br_ref, wd_ref, bd_ref, w1_ref,
              s1_ref, dinv_ref):
    dinv = lax.rsqrt(deg_ref[...] + 1.0)
    xb = x_ref[...]
    embr = jnp.dot(xb, wr_ref[...], preferred_element_type=jnp.float32) + br_ref[...]
    embd = jnp.dot(xb, wd_ref[...], preferred_element_type=jnp.float32) + bd_ref[...]
    rows = pl.program_id(0) * _R + lax.broadcasted_iota(jnp.int32, (_R, 1), 0)
    emb = jnp.where(rows % 2 == 0, embr, embd)
    s1_ref[...] = jnp.dot(emb, w1_ref[...], preferred_element_type=jnp.float32) * dinv
    dinv_ref[...] = dinv


def _layer_body(acc_ref, s_ref, dinv_ref, b_ref, w_ref, out_ref):
    dinv = dinv_ref[...]
    h = jnp.maximum(dinv * (acc_ref[...] + s_ref[...]) + b_ref[...], 0.0)
    out_ref[...] = jnp.dot(h, w_ref[...], preferred_element_type=jnp.float32) * dinv


def _comb_body(acc_ref, s_ref, dinv_ref, b_ref, out_ref):
    dinv = dinv_ref[...]
    out_ref[...] = jnp.maximum(dinv * (acc_ref[...] + s_ref[...]) + b_ref[...], 0.0)


def _mlp_body(p_ref, wm1_ref, bm1_ref, wm2_ref, bm2_ref, out_ref):
    hidden = jnp.maximum(
        jnp.dot(p_ref[...], wm1_ref[...], preferred_element_type=jnp.float32)
        + bm1_ref[...], 0.0)
    out_ref[...] = jnp.sum(hidden * wm2_ref[...], axis=1, keepdims=True) + bm2_ref[...]


def _row_spec(width):
    return pl.BlockSpec((_R, width), lambda b: (b, 0))


def _full_spec(r, ccol):
    return pl.BlockSpec((r, ccol), lambda b: (0, 0))


_GRID_N = _NP // _R
_GRID_G = _GP // _R

_emb_call = pl.pallas_call(
    _emb_body,
    grid=(_GRID_N,),
    in_specs=[
        _row_spec(_DF),
        _row_spec(1),
        _full_spec(_DF, _H),
        _full_spec(1, _H),
        _full_spec(_DF, _H),
        _full_spec(1, _H),
        _full_spec(_H, _H),
    ],
    out_specs=[_row_spec(_H), _row_spec(1)],
    out_shape=[
        jax.ShapeDtypeStruct((_NP, _H), jnp.float32),
        jax.ShapeDtypeStruct((_NP, 1), jnp.float32),
    ],
)

_layer_call = pl.pallas_call(
    _layer_body,
    grid=(_GRID_N,),
    in_specs=[
        _row_spec(_H),
        _row_spec(_H),
        _row_spec(1),
        _full_spec(1, _H),
        _full_spec(_H, _H),
    ],
    out_specs=_row_spec(_H),
    out_shape=jax.ShapeDtypeStruct((_NP, _H), jnp.float32),
)

_comb_call = pl.pallas_call(
    _comb_body,
    grid=(_GRID_N,),
    in_specs=[
        _row_spec(_H),
        _row_spec(_H),
        _row_spec(1),
        _full_spec(1, _H),
    ],
    out_specs=_row_spec(_H),
    out_shape=jax.ShapeDtypeStruct((_NP, _H), jnp.float32),
)

_mlp_call = pl.pallas_call(
    _mlp_body,
    grid=(_GRID_G,),
    in_specs=[
        _row_spec(_H),
        _full_spec(_H, _H // 2),
        _full_spec(1, _H // 2),
        _full_spec(1, _H // 2),
        _full_spec(1, 1),
    ],
    out_specs=_row_spec(1),
    out_shape=jax.ShapeDtypeStruct((_GP, 1), jnp.float32),
)


_KB = 512
_GRID_K = _NP // _KB


def _mm_body(a_ref, s_ref, out_ref):
    k = pl.program_id(1)

    @pl.when(k == 0)
    def _():
        out_ref[...] = jnp.zeros_like(out_ref)

    out_ref[...] += jnp.dot(a_ref[...], s_ref[...],
                            precision=lax.Precision.HIGHEST,
                            preferred_element_type=jnp.float32)


_mm_call = pl.pallas_call(
    _mm_body,
    grid=(_GRID_N, _GRID_K),
    in_specs=[
        pl.BlockSpec((_R, _KB), lambda i, k: (i, k)),
        pl.BlockSpec((_KB, _H), lambda i, k: (k, 0)),
    ],
    out_specs=pl.BlockSpec((_R, _H), lambda i, k: (i, 0)),
    out_shape=jax.ShapeDtypeStruct((_NP, _H), jnp.float32),
)


def _scatter(adj, s):
    return _mm_call(adj, s)


def kernel(x, edge_index, batch, Wr, br, Wd, bd, W1, b1, W2, b2, W3, b3,
           Wm1, bm1, Wm2, bm2):
    src = edge_index[0]
    dst = edge_index[1]
    gap = _HPAD - _HALF
    srcp = src + gap * (src >= _HALF).astype(jnp.int32)
    dgp = dst + gap * (dst >= _HALF).astype(jnp.int32)
    x_p = jnp.concatenate([
        x[:_HALF], jnp.zeros((gap, _DF), jnp.float32),
        x[_HALF:], jnp.zeros((gap, _DF), jnp.float32)])
    ggap = _GPAD - _GHALF
    blg_pad = jnp.full((gap,), _GP - 1, jnp.int32)
    blg = jnp.concatenate([
        jnp.where(batch[:_HALF] < _GHALF, batch[:_HALF],
                  batch[:_HALF] + ggap), blg_pad,
        jnp.where(batch[_HALF:] < _GHALF, batch[_HALF:],
                  batch[_HALF:] + ggap), blg_pad])
    wrp = jnp.pad(Wr, ((0, _DF - _RD), (0, 0)))
    br2 = br.reshape(1, _H)
    bd2 = bd.reshape(1, _H)
    b1_2 = b1.reshape(1, _H)
    b2_2 = b2.reshape(1, _H)
    b3_2 = b3.reshape(1, _H)
    bm1_2 = bm1.reshape(1, _H // 2)
    wm2r = Wm2.reshape(1, _H // 2)
    bm2_2 = bm2.reshape(1, 1)

    flat_s = jnp.sort(dgp * _NP + srcp)
    adj = jnp.zeros((_NP * _NP,), jnp.float32).at[flat_s].add(
        1.0, indices_are_sorted=True).reshape(_NP, _NP)
    dgp_s = flat_s // _NP
    deg2d = jnp.zeros((_NP,), jnp.float32).at[dgp_s].add(
        1.0, indices_are_sorted=True)[:, None]
    s1, dinv2d = _emb_call(x_p, deg2d, wrp, br2, Wd, bd2, W1)
    acc1 = _scatter(adj, s1)
    s2 = _layer_call(acc1, s1, dinv2d, b1_2, W2)
    acc2 = _scatter(adj, s2)
    s3 = _layer_call(acc2, s2, dinv2d, b2_2, W3)
    acc3 = _scatter(adj, s3)
    h3p = _comb_call(acc3, s3, dinv2d, b3_2)
    pooled = jnp.zeros((_GP, _H), jnp.float32).at[blg].add(h3p)
    pred_p = _mlp_call(pooled, Wm1, bm1_2, wm2r, bm2_2)
    return jnp.concatenate([pred_p[:_GHALF], pred_p[_GPAD:_GPAD + _GHALF]])

# --- scband reference (transcript-rebuilt; emitter-appended) ---
"""Pipeline reference for scband-general-mpnn-45896020525609 (READ-ONLY COPY).

The authoritative reference and input builder live on the scoring server;
editing this copy changes nothing except your own understanding.
"""

import jax, jax.numpy as jnp
import numpy as np

N = 10000
E = 320000
DFEAT = 128
RDIM = 6
H = 256
G = 5000  # number of graphs (2 nodes per graph in original dataset)


def setup_inputs(seed: int = 0) -> dict:
    key = jax.random.key(seed)
    ks = jax.random.split(key, 20)
    x = jax.random.normal(ks[0], (N, DFEAT), dtype=jnp.float32)
    edge_index = jax.random.randint(ks[1], (2, E), 0, N, dtype=jnp.int32)
    batch = jnp.sort(jax.random.randint(ks[2], (N,), 0, G, dtype=jnp.int32))
    s = 0.05
    Wr = jax.random.normal(ks[3], (RDIM, H), dtype=jnp.float32) * s
    br = jnp.zeros((H,), jnp.float32)
    Wd = jax.random.normal(ks[4], (DFEAT, H), dtype=jnp.float32) * s
    bd = jnp.zeros((H,), jnp.float32)
    W1 = jax.random.normal(ks[5], (H, H), dtype=jnp.float32) * s
    b1 = jnp.zeros((H,), jnp.float32)
    W2 = jax.random.normal(ks[6], (H, H), dtype=jnp.float32) * s
    b2 = jnp.zeros((H,), jnp.float32)
    W3 = jax.random.normal(ks[7], (H, H), dtype=jnp.float32) * s
    b3 = jnp.zeros((H,), jnp.float32)
    Wm1 = jax.random.normal(ks[8], (H, H // 2), dtype=jnp.float32) * s
    bm1 = jnp.zeros((H // 2,), jnp.float32)
    Wm2 = jax.random.normal(ks[9], (H // 2, 1), dtype=jnp.float32) * s
    bm2 = jnp.zeros((1,), jnp.float32)
    return {"x": x, "edge_index": edge_index, "batch": batch,
            "Wr": Wr, "br": br, "Wd": Wd, "bd": bd,
            "W1": W1, "b1": b1, "W2": W2, "b2": b2, "W3": W3, "b3": b3,
            "Wm1": Wm1, "bm1": bm1, "Wm2": Wm2, "bm2": bm2}


def _gcn_conv(h, edge_index, W, b):
    # PyG GCNConv with add_self_loops=True, symmetric normalization
    n = h.shape[0]
    loop = jnp.arange(n, dtype=edge_index.dtype)
    src = jnp.concatenate([edge_index[0], loop])
    dst = jnp.concatenate([edge_index[1], loop])
    deg = jnp.zeros((n,), h.dtype).at[dst].add(1.0)
    dinv = jax.lax.rsqrt(jnp.maximum(deg, 1e-12))
    norm = dinv[src] * dinv[dst]
    hw = h @ W
    out = jnp.zeros_like(hw).at[dst].add(hw[src] * norm[:, None])
    return out + b


def reference(x, edge_index, batch, Wr, br, Wd, bd, W1, b1, W2, b2, W3, b3, Wm1, bm1, Wm2, bm2):
    n = x.shape[0]
    r_idx = jnp.arange(0, n, 2)
    d_idx = jnp.arange(1, n, 2)
    emb = jnp.zeros((n, H), jnp.float32)
    emb = emb.at[r_idx].set(x[r_idx, :RDIM] @ Wr + br)
    emb = emb.at[d_idx].set(x[d_idx, :DFEAT] @ Wd + bd)
    h = emb
    for (W, b) in ((W1, b1), (W2, b2), (W3, b3)):
        h = _gcn_conv(h, edge_index, W, b)
        h = jax.nn.relu(h)
        # dropout is identity in eval mode
    pooled = jax.ops.segment_sum(h, batch, num_segments=G)
    hidden = jax.nn.relu(pooled @ Wm1 + bm1)
    pred = hidden @ Wm2 + bm2
    return pred

if __name__ == "__main__":
    import jax
    _d = setup_inputs()
    print(jax.jit(kernel)(*tuple(_d.values())))

</pallas_src>

<mosaic_0001>
module attributes {stable_mosaic.version = 14 : i64} {
  func.func @_emb_body(%arg0: i32, %arg1: memref<256x128xf32, #tpu.memory_space<vmem>>, %arg2: memref<256x1xf32, #tpu.memory_space<vmem>>, %arg3: memref<128x256xf32, #tpu.memory_space<vmem>>, %arg4: memref<1x256xf32, #tpu.memory_space<vmem>>, %arg5: memref<128x256xf32, #tpu.memory_space<vmem>>, %arg6: memref<1x256xf32, #tpu.memory_space<vmem>>, %arg7: memref<256x256xf32, #tpu.memory_space<vmem>>, %arg8: memref<256x256xf32, #tpu.memory_space<vmem>>, %arg9: memref<256x1xf32, #tpu.memory_space<vmem>>) attributes {dimension_semantics = [#tpu.dimension_semantics<arbitrary>], iteration_bounds = array<i64: 40>, scalar_prefetch = 0 : i64, scratch_operands = 0 : i64, tpu.core_type = #tpu.core_type<tc>, window_params = [{transform_indices = @transform_0, window_bounds = array<i64: 256, 128>}, {transform_indices = @transform_1, window_bounds = array<i64: 256, 1>}, {pipeline_mode = #tpu.pipeline_mode<synchronous>, transform_indices = @transform_2, window_bounds = array<i64: 128, 256>}, {pipeline_mode = #tpu.pipeline_mode<synchronous>, transform_indices = @transform_3, window_bounds = array<i64: 1, 256>}, {pipeline_mode = #tpu.pipeline_mode<synchronous>, transform_indices = @transform_4, window_bounds = array<i64: 128, 256>}, {pipeline_mode = #tpu.pipeline_mode<synchronous>, transform_indices = @transform_5, window_bounds = array<i64: 1, 256>}, {pipeline_mode = #tpu.pipeline_mode<synchronous>, transform_indices = @transform_6, window_bounds = array<i64: 256, 256>}, {transform_indices = @transform_7, window_bounds = array<i64: 256, 256>}, {transform_indices = @transform_8, window_bounds = array<i64: 256, 1>}]} {
    %get3A = arith.constant 0 : index
    %get3A_0 = arith.constant 0 : index
    %get3A_1 = vector.load %arg2[%get3A, %get3A_0] : memref<256x1xf32, #tpu.memory_space<vmem>>, vector<256x1xf32>
    %add3A = arith.constant 1.000000e+00 : f32
    %add3A_2 = vector.broadcast %add3A : f32 to vector<256x1xf32>
    %add3A_3 = arith.addf %get3A_1, %add3A_2 : vector<256x1xf32>
    %rsqrt3A = math.rsqrt %add3A_3 : vector<256x1xf32>
    %get3A_4 = arith.constant 0 : index
    %get3A_5 = arith.constant 0 : index
    %get3A_6 = vector.load %arg1[%get3A_4, %get3A_5] : memref<256x128xf32, #tpu.memory_space<vmem>>, vector<256x128xf32>
    %get3A_7 = arith.constant 0 : index
    %get3A_8 = arith.constant 0 : index
    %get3A_9 = vector.load %arg3[%get3A_7, %get3A_8] : memref<128x256xf32, #tpu.memory_space<vmem>>, vector<128x256xf32>
    %dot_general3A = arith.constant dense<0.000000e+00> : vector<256x256xf32>
    %dot_general3A_10 = tpu.matmul %get3A_6, %get3A_9, %dot_general3A {dimension_numbers = #tpu.dot_dimension_numbers<[1], [0], [0], [1], [0, 0, 1, 1], [], []>, transpose_lhs_hint = false} : vector<256x128xf32>, vector<128x256xf32>, vector<256x256xf32> -> vector<256x256xf32>
    %get3A_11 = arith.constant 0 : index
    %get3A_12 = arith.constant 0 : index
    %get3A_13 = vector.load %arg4[%get3A_11, %get3A_12] : memref<1x256xf32, #tpu.memory_space<vmem>>, vector<1x256xf32>
    %add3A_14 = vector.broadcast %get3A_13 : vector<1x256xf32> to vector<256x256xf32>
    %add3A_15 = arith.addf %dot_general3A_10, %add3A_14 : vector<256x256xf32>
    %get3A_16 = arith.constant 0 : index
    %get3A_17 = arith.constant 0 : index
    %get3A_18 = vector.load %arg5[%get3A_16, %get3A_17] : memref<128x256xf32, #tpu.memory_space<vmem>>, vector<128x256xf32>
    %dot_general3A_19 = arith.constant dense<0.000000e+00> : vector<256x256xf32>
    %dot_general3A_20 = tpu.matmul %get3A_6, %get3A_18, %dot_general3A_19 {dimension_numbers = #tpu.dot_dimension_numbers<[1], [0], [0], [1], [0, 0, 1, 1], [], []>, transpose_lhs_hint = false} : vector<256x128xf32>, vector<128x256xf32>, vector<256x256xf32> -> vector<256x256xf32>
    %get3A_21 = arith.constant 0 : index
    %get3A_22 = arith.constant 0 : index
    %get3A_23 = vector.load %arg6[%get3A_21, %get3A_22] : memref<1x256xf32, #tpu.memory_space<vmem>>, vector<1x256xf32>
    %add3A_24 = vector.broadcast %get3A_23 : vector<1x256xf32> to vector<256x256xf32>
    %add3A_25 = arith.addf %dot_general3A_20, %add3A_24 : vector<256x256xf32>
    %mul3A = arith.constant 256 : i32
    %mul3A_26 = arith.muli %arg0, %mul3A : i32
    %iota3A = tpu.iota {dimensions = array<i32: 0>} : vector<256x1xi32>
    %add3A_27 = vector.broadcast %mul3A_26 : i32 to vector<256x1xi32>
    %add3A_28 = arith.addi %add3A_27, %iota3A : vector<256x1xi32>
    %jit3A = arith.constant 2 : i32
    %eq3A = arith.constant 0 : i32
    %eq3A_29 = arith.cmpi eq, %jit3A, %eq3A : i32
    %jit3A_30 = arith.constant 1 : i32
    %select_n3A = arith.select %eq3A_29, %jit3A_30, %jit3A : i32
    %rem3A = vector.broadcast %select_n3A : i32 to vector<256x1xi32>
    %rem3A_31 = arith.remsi %add3A_28, %rem3A : vector<256x1xi32>
    %ne3A = arith.constant 0 : i32
    %ne3A_32 = vector.broadcast %ne3A : i32 to vector<256x1xi32>
    %ne3A_33 = arith.cmpi ne, %rem3A_31, %ne3A_32 : vector<256x1xi32>
    %lt3A = arith.constant 0 : i32
    %lt3A_34 = vector.broadcast %lt3A : i32 to vector<256x1xi32>
    %lt3A_35 = arith.cmpi slt, %rem3A_31, %lt3A_34 : vector<256x1xi32>
    %lt3A_36 = arith.constant 0 : i32
    %lt3A_37 = arith.cmpi slt, %select_n3A, %lt3A_36 : i32
    %ne3A_38 = vector.broadcast %lt3A_37 : i1 to vector<256x1xi1>
    %ne3A_39 = vector.broadcast %ne3A_38 : vector<256x1xi1> to vector<256x1xi1>
    %ne3A_40 = arith.xori %lt3A_35, %ne3A_39 : vector<256x1xi1>
    %and3A = arith.andi %ne3A_40, %ne3A_33 : vector<256x1xi1>
    %add3A_41 = vector.broadcast %select_n3A : i32 to vector<256x1xi32>
    %add3A_42 = arith.addi %rem3A_31, %add3A_41 : vector<256x1xi32>
    %select_n3A_43 = arith.select %and3A, %add3A_42, %rem3A_31 : vector<256x1xi1>, vector<256x1xi32>
    %eq3A_44 = arith.constant 0 : i32
    %eq3A_45 = vector.broadcast %eq3A_44 : i32 to vector<256x1xi32>
    %eq3A_46 = arith.cmpi eq, %select_n3A_43, %eq3A_45 : vector<256x1xi32>
    %broadcast_in_dim3A = vector.shape_cast %eq3A_46 : vector<256x1xi1> to vector<256x1xi1>
    %broadcast_in_dim3A_47 = vector.broadcast %broadcast_in_dim3A : vector<256x1xi1> to vector<256x256xi1>
    %select_n3A_48 = arith.select %broadcast_in_dim3A_47, %add3A_15, %add3A_25 : vector<256x256xi1>, vector<256x256xf32>
    %get3A_49 = arith.constant 0 : index
    %get3A_50 = arith.constant 0 : index
    %get3A_51 = vector.load %arg7[%get3A_49, %get3A_50] : memref<256x256xf32, #tpu.memory_space<vmem>>, vector<256x256xf32>
    %dot_general3A_52 = arith.constant dense<0.000000e+00> : vector<256x256xf32>
    %dot_general3A_53 = tpu.matmul %select_n3A_48, %get3A_51, %dot_general3A_52 {dimension_numbers = #tpu.dot_dimension_numbers<[1], [0], [0], [1], [0, 0, 1, 1], [], []>, transpose_lhs_hint = false} : vector<256x256xf32>, vector<256x256xf32>, vector<256x256xf32> -> vector<256x256xf32>
    %mul3A_54 = vector.broadcast %rsqrt3A : vector<256x1xf32> to vector<256x256xf32>
    %mul3A_55 = arith.mulf %dot_general3A_53, %mul3A_54 : vector<256x256xf32>
    %swap3A = arith.constant 0 : index
    %swap3A_56 = arith.constant 0 : index
    %swap3A_57 = vector.load %arg8[%swap3A, %swap3A_56] : memref<256x256xf32, #tpu.memory_space<vmem>>, vector<256x256xf32>
    tpu.vector_store %arg8[%swap3A, %swap3A_56], %mul3A_55 {strides = array<i32>} : memref<256x256xf32, #tpu.memory_space<vmem>>, vector<256x256xf32>,
    %swap3A_58 = arith.constant 0 : index
    %swap3A_59 = arith.constant 0 : index
    %swap3A_60 = vector.load %arg9[%swap3A_58, %swap3A_59] : memref<256x1xf32, #tpu.memory_space<vmem>>, vector<256x1xf32>
    tpu.vector_store %arg9[%swap3A_58, %swap3A_59], %rsqrt3A {strides = array<i32>} : memref<256x1xf32, #tpu.memory_space<vmem>>, vector<256x1xf32>,
    return
  }
  func.func @transform_0(%arg0: i32) -> (i32, i32) {
    %c0_i32 = arith.constant 0 : i32
    %c0_i32_0 = arith.constant 0 : i32
    return %arg0, %c0_i32 : i32, i32
  }
  func.func @transform_1(%arg0: i32) -> (i32, i32) {
    %c0_i32 = arith.constant 0 : i32
    %c0_i32_0 = arith.constant 0 : i32
    return %arg0, %c0_i32 : i32, i32
  }
  func.func @transform_2(%arg0: i32) -> (i32, i32) {
    %c0_i32 = arith.constant 0 : i32
    %c0_i32_0 = arith.constant 0 : i32
    %c0_i32_1 = arith.constant 0 : i32
    return %c0_i32, %c0_i32_0 : i32, i32
  }
  func.func @transform_3(%arg0: i32) -> (i32, i32) {
    %c0_i32 = arith.constant 0 : i32
    %c0_i32_0 = arith.constant 0 : i32
    %c0_i32_1 = arith.constant 0 : i32
    return %c0_i32, %c0_i32_0 : i32, i32
  }
  func.func @transform_4(%arg0: i32) -> (i32, i32) {
    %c0_i32 = arith.constant 0 : i32
    %c0_i32_0 = arith.constant 0 : i32
    %c0_i32_1 = arith.constant 0 : i32
    return %c0_i32, %c0_i32_0 : i32, i32
  }
  func.func @transform_5(%arg0: i32) -> (i32, i32) {
    %c0_i32 = arith.constant 0 : i32
    %c0_i32_0 = arith.constant 0 : i32
    %c0_i32_1 = arith.constant 0 : i32
    return %c0_i32, %c0_i32_0 : i32, i32
  }
  func.func @transform_6(%arg0: i32) -> (i32, i32) {
    %c0_i32 = arith.constant 0 : i32
    %c0_i32_0 = arith.constant 0 : i32
    %c0_i32_1 = arith.constant 0 : i32
    return %c0_i32, %c0_i32_0 : i32, i32
  }
  func.func @transform_7(%arg0: i32) -> (i32, i32) {
    %c0_i32 = arith.constant 0 : i32
    %c0_i32_0 = arith.constant 0 : i32
    return %arg0, %c0_i32 : i32, i32
  }
  func.func @transform_8(%arg0: i32) -> (i32, i32) {
    %c0_i32 = arith.constant 0 : i32
    %c0_i32_0 = arith.constant 0 : i32
    return %arg0, %c0_i32 : i32, i32
  }
}

module attributes {stable_mosaic.version = 14 : i64} {
  func.func @_mm_body(%arg0: i32, %arg1: i32, %arg2: memref<256x512xf32, #tpu.memory_space<vmem>>, %arg3: memref<512x256xf32, #tpu.memory_space<vmem>>, %arg4: memref<256x256xf32, #tpu.memory_space<vmem>>) attributes {dimension_semantics = [#tpu.dimension_semantics<arbitrary>, #tpu.dimension_semantics<arbitrary>], iteration_bounds = array<i64: 40, 20>, scalar_prefetch = 0 : i64, scratch_operands = 0 : i64, tpu.core_type = #tpu.core_type<tc>, window_params = [{transform_indices = @transform_0, window_bounds = array<i64: 256, 512>}, {transform_indices = @transform_1, window_bounds = array<i64: 512, 256>}, {transform_indices = @transform_2, window_bounds = array<i64: 256, 256>}]} {
    %eq3A = arith.constant 0 : i32
    %eq3A_0 = arith.cmpi eq, %arg1, %eq3A : i32
    %convert_element_type3A = arith.extui %eq3A_0 : i1 to i32
    %cond3A = arith.constant 0 : i32
    %cond3A_1 = arith.cmpi ne, %convert_element_type3A, %cond3A : i32
    scf.if %cond3A_1 {
      %broadcast_in_dim3A = arith.constant 0.000000e+00 : f32
      %broadcast_in_dim3A_13 = vector.broadcast %broadcast_in_dim3A : f32 to vector<256x256xf32>
      %swap3A_14 = arith.constant 0 : index
      %swap3A_15 = arith.constant 0 : index
      %swap3A_16 = vector.load %arg4[%swap3A_14, %swap3A_15] : memref<256x256xf32, #tpu.memory_space<vmem>>, vector<256x256xf32>
      tpu.vector_store %arg4[%swap3A_14, %swap3A_15], %broadcast_in_dim3A_13 {strides = array<i32>} : memref<256x256xf32, #tpu.memory_space<vmem>>, vector<256x256xf32>,
    } else {
    }
    %get3A = arith.constant 0 : index
    %get3A_2 = arith.constant 0 : index
    %get3A_3 = vector.load %arg4[%get3A, %get3A_2] : memref<256x256xf32, #tpu.memory_space<vmem>>, vector<256x256xf32>
    %get3A_4 = arith.constant 0 : index
    %get3A_5 = arith.constant 0 : index
    %get3A_6 = vector.load %arg2[%get3A_4, %get3A_5] : memref<256x512xf32, #tpu.memory_space<vmem>>, vector<256x512xf32>
    %get3A_7 = arith.constant 0 : index
    %get3A_8 = arith.constant 0 : index
    %get3A_9 = vector.load %arg3[%get3A_7, %get3A_8] : memref<512x256xf32, #tpu.memory_space<vmem>>, vector<512x256xf32>
    %dot_general3A = arith.constant dense<0.000000e+00> : vector<256x256xf32>
    %dot_general3A_10 = tpu.matmul %get3A_6, %get3A_9, %dot_general3A {dimension_numbers = #tpu.dot_dimension_numbers<[1], [0], [0], [1], [0, 0, 1, 1], [], []>, precision = #tpu.contract_precision<fp32>, transpose_lhs_hint = false} : vector<256x512xf32>, vector<512x256xf32>, vector<256x256xf32> -> vector<256x256xf32>
    %add3A = arith.addf %get3A_3, %dot_general3A_10 : vector<256x256xf32>
    %swap3A = arith.constant 0 : index
    %swap3A_11 = arith.constant 0 : index
    %swap3A_12 = vector.load %arg4[%swap3A, %swap3A_11] : memref<256x256xf32, #tpu.memory_space<vmem>>, vector<256x256xf32>
    tpu.vector_store %arg4[%swap3A, %swap3A_11], %add3A {strides = array<i32>} : memref<256x256xf32, #tpu.memory_space<vmem>>, vector<256x256xf32>,
    return
  }
  func.func @transform_0(%arg0: i32, %arg1: i32) -> (i32, i32) {
    %c0_i32 = arith.constant 0 : i32
    return %arg0, %arg1 : i32, i32
  }
  func.func @transform_1(%arg0: i32, %arg1: i32) -> (i32, i32) {
    %c0_i32 = arith.constant 0 : i32
    %c0_i32_0 = arith.constant 0 : i32
    return %arg1, %c0_i32 : i32, i32
  }
  func.func @transform_2(%arg0: i32, %arg1: i32) -> (i32, i32) {
    %c0_i32 = arith.constant 0 : i32
    %c0_i32_0 = arith.constant 0 : i32
    return %arg0, %c0_i32 : i32, i32
  }
}

module attributes {stable_mosaic.version = 14 : i64} {
  func.func @_layer_body(%arg0: i32, %arg1: memref<256x256xf32, #tpu.memory_space<vmem>>, %arg2: memref<256x256xf32, #tpu.memory_space<vmem>>, %arg3: memref<256x1xf32, #tpu.memory_space<vmem>>, %arg4: memref<1x256xf32, #tpu.memory_space<vmem>>, %arg5: memref<256x256xf32, #tpu.memory_space<vmem>>, %arg6: memref<256x256xf32, #tpu.memory_space<vmem>>) attributes {dimension_semantics = [#tpu.dimension_semantics<arbitrary>], iteration_bounds = array<i64: 40>, scalar_prefetch = 0 : i64, scratch_operands = 0 : i64, tpu.core_type = #tpu.core_type<tc>, window_params = [{transform_indices = @transform_0, window_bounds = array<i64: 256, 256>}, {transform_indices = @transform_1, window_bounds = array<i64: 256, 256>}, {transform_indices = @transform_2, window_bounds = array<i64: 256, 1>}, {pipeline_mode = #tpu.pipeline_mode<synchronous>, transform_indices = @transform_3, window_bounds = array<i64: 1, 256>}, {pipeline_mode = #tpu.pipeline_mode<synchronous>, transform_indices = @transform_4, window_bounds = array<i64: 256, 256>}, {transform_indices = @transform_5, window_bounds = array<i64: 256, 256>}]} {
    %get3A = arith.constant 0 : index
    %get3A_0 = arith.constant 0 : index
    %get3A_1 = vector.load %arg3[%get3A, %get3A_0] : memref<256x1xf32, #tpu.memory_space<vmem>>, vector<256x1xf32>
    %get3A_2 = arith.constant 0 : index
    %get3A_3 = arith.constant 0 : index
    %get3A_4 = vector.load %arg1[%get3A_2, %get3A_3] : memref<256x256xf32, #tpu.memory_space<vmem>>, vector<256x256xf32>
    %get3A_5 = arith.constant 0 : index
    %get3A_6 = arith.constant 0 : index
    %get3A_7 = vector.load %arg2[%get3A_5, %get3A_6] : memref<256x256xf32, #tpu.memory_space<vmem>>, vector<256x256xf32>
    %add3A = arith.addf %get3A_4, %get3A_7 : vector<256x256xf32>
    %mul3A = vector.broadcast %get3A_1 : vector<256x1xf32> to vector<256x256xf32>
    %mul3A_8 = arith.mulf %mul3A, %add3A : vector<256x256xf32>
    %get3A_9 = arith.constant 0 : index
    %get3A_10 = arith.constant 0 : index
    %get3A_11 = vector.load %arg4[%get3A_9, %get3A_10] : memref<1x256xf32, #tpu.memory_space<vmem>>, vector<1x256xf32>
    %add3A_12 = vector.broadcast %get3A_11 : vector<1x256xf32> to vector<256x256xf32>
    %add3A_13 = arith.addf %mul3A_8, %add3A_12 : vector<256x256xf32>
    %max3A = arith.constant 0.000000e+00 : f32
    %max3A_14 = vector.broadcast %max3A : f32 to vector<256x256xf32>
    %max3A_15 = arith.maximumf %add3A_13, %max3A_14 : vector<256x256xf32>
    %get3A_16 = arith.constant 0 : index
    %get3A_17 = arith.constant 0 : index
    %get3A_18 = vector.load %arg5[%get3A_16, %get3A_17] : memref<256x256xf32, #tpu.memory_space<vmem>>, vector<256x256xf32>
    %dot_general3A = arith.constant dense<0.000000e+00> : vector<256x256xf32>
    %dot_general3A_19 = tpu.matmul %max3A_15, %get3A_18, %dot_general3A {dimension_numbers = #tpu.dot_dimension_numbers<[1], [0], [0], [1], [0, 0, 1, 1], [], []>, transpose_lhs_hint = false} : vector<256x256xf32>, vector<256x256xf32>, vector<256x256xf32> -> vector<256x256xf32>
    %mul3A_20 = vector.broadcast %get3A_1 : vector<256x1xf32> to vector<256x256xf32>
    %mul3A_21 = arith.mulf %dot_general3A_19, %mul3A_20 : vector<256x256xf32>
    %swap3A = arith.constant 0 : index
    %swap3A_22 = arith.constant 0 : index
    %swap3A_23 = vector.load %arg6[%swap3A, %swap3A_22] : memref<256x256xf32, #tpu.memory_space<vmem>>, vector<256x256xf32>
    tpu.vector_store %arg6[%swap3A, %swap3A_22], %mul3A_21 {strides = array<i32>} : memref<256x256xf32, #tpu.memory_space<vmem>>, vector<256x256xf32>,
    return
  }
  func.func @transform_0(%arg0: i32) -> (i32, i32) {
    %c0_i32 = arith.constant 0 : i32
    %c0_i32_0 = arith.constant 0 : i32
    return %arg0, %c0_i32 : i32, i32
  }
  func.func @transform_1(%arg0: i32) -> (i32, i32) {
    %c0_i32 = arith.constant 0 : i32
    %c0_i32_0 = arith.constant 0 : i32
    return %arg0, %c0_i32 : i32, i32
  }
  func.func @transform_2(%arg0: i32) -> (i32, i32) {
    %c0_i32 = arith.constant 0 : i32
    %c0_i32_0 = arith.constant 0 : i32
    return %arg0, %c0_i32 : i32, i32
  }
  func.func @transform_3(%arg0: i32) -> (i32, i32) {
    %c0_i32 = arith.constant 0 : i32
    %c0_i32_0 = arith.constant 0 : i32
    %c0_i32_1 = arith.constant 0 : i32
    return %c0_i32, %c0_i32_0 : i32, i32
  }
  func.func @transform_4(%arg0: i32) -> (i32, i32) {
    %c0_i32 = arith.constant 0 : i32
    %c0_i32_0 = arith.constant 0 : i32
    %c0_i32_1 = arith.constant 0 : i32
    return %c0_i32, %c0_i32_0 : i32, i32
  }
  func.func @transform_5(%arg0: i32) -> (i32, i32) {
    %c0_i32 = arith.constant 0 : i32
    %c0_i32_0 = arith.constant 0 : i32
    return %arg0, %c0_i32 : i32, i32
  }
}

module attributes {stable_mosaic.version = 14 : i64} {
  func.func @_comb_body(%arg0: i32, %arg1: memref<256x256xf32, #tpu.memory_space<vmem>>, %arg2: memref<256x256xf32, #tpu.memory_space<vmem>>, %arg3: memref<256x1xf32, #tpu.memory_space<vmem>>, %arg4: memref<1x256xf32, #tpu.memory_space<vmem>>, %arg5: memref<256x256xf32, #tpu.memory_space<vmem>>) attributes {dimension_semantics = [#tpu.dimension_semantics<arbitrary>], iteration_bounds = array<i64: 40>, scalar_prefetch = 0 : i64, scratch_operands = 0 : i64, tpu.core_type = #tpu.core_type<tc>, window_params = [{transform_indices = @transform_0, window_bounds = array<i64: 256, 256>}, {transform_indices = @transform_1, window_bounds = array<i64: 256, 256>}, {transform_indices = @transform_2, window_bounds = array<i64: 256, 1>}, {pipeline_mode = #tpu.pipeline_mode<synchronous>, transform_indices = @transform_3, window_bounds = array<i64: 1, 256>}, {transform_indices = @transform_4, window_bounds = array<i64: 256, 256>}]} {
    %get3A = arith.constant 0 : index
    %get3A_0 = arith.constant 0 : index
    %get3A_1 = vector.load %arg3[%get3A, %get3A_0] : memref<256x1xf32, #tpu.memory_space<vmem>>, vector<256x1xf32>
    %get3A_2 = arith.constant 0 : index
    %get3A_3 = arith.constant 0 : index
    %get3A_4 = vector.load %arg1[%get3A_2, %get3A_3] : memref<256x256xf32, #tpu.memory_space<vmem>>, vector<256x256xf32>
    %get3A_5 = arith.constant 0 : index
    %get3A_6 = arith.constant 0 : index
    %get3A_7 = vector.load %arg2[%get3A_5, %get3A_6] : memref<256x256xf32, #tpu.memory_space<vmem>>, vector<256x256xf32>
    %add3A = arith.addf %get3A_4, %get3A_7 : vector<256x256xf32>
    %mul3A = vector.broadcast %get3A_1 : vector<256x1xf32> to vector<256x256xf32>
    %mul3A_8 = arith.mulf %mul3A, %add3A : vector<256x256xf32>
    %get3A_9 = arith.constant 0 : index
    %get3A_10 = arith.constant 0 : index
    %get3A_11 = vector.load %arg4[%get3A_9, %get3A_10] : memref<1x256xf32, #tpu.memory_space<vmem>>, vector<1x256xf32>
    %add3A_12 = vector.broadcast %get3A_11 : vector<1x256xf32> to vector<256x256xf32>
    %add3A_13 = arith.addf %mul3A_8, %add3A_12 : vector<256x256xf32>
    %max3A = arith.constant 0.000000e+00 : f32
    %max3A_14 = vector.broadcast %max3A : f32 to vector<256x256xf32>
    %max3A_15 = arith.maximumf %add3A_13, %max3A_14 : vector<256x256xf32>
    %swap3A = arith.constant 0 : index
    %swap3A_16 = arith.constant 0 : index
    %swap3A_17 = vector.load %arg5[%swap3A, %swap3A_16] : memref<256x256xf32, #tpu.memory_space<vmem>>, vector<256x256xf32>
    tpu.vector_store %arg5[%swap3A, %swap3A_16], %max3A_15 {strides = array<i32>} : memref<256x256xf32, #tpu.memory_space<vmem>>, vector<256x256xf32>,
    return
  }
  func.func @transform_0(%arg0: i32) -> (i32, i32) {
    %c0_i32 = arith.constant 0 : i32
    %c0_i32_0 = arith.constant 0 : i32
    return %arg0, %c0_i32 : i32, i32
  }
  func.func @transform_1(%arg0: i32) -> (i32, i32) {
    %c0_i32 = arith.constant 0 : i32
    %c0_i32_0 = arith.constant 0 : i32
    return %arg0, %c0_i32 : i32, i32
  }
  func.func @transform_2(%arg0: i32) -> (i32, i32) {
    %c0_i32 = arith.constant 0 : i32
    %c0_i32_0 = arith.constant 0 : i32
    return %arg0, %c0_i32 : i32, i32
  }
  func.func @transform_3(%arg0: i32) -> (i32, i32) {
    %c0_i32 = arith.constant 0 : i32
    %c0_i32_0 = arith.constant 0 : i32
    %c0_i32_1 = arith.constant 0 : i32
    return %c0_i32, %c0_i32_0 : i32, i32
  }
  func.func @transform_4(%arg0: i32) -> (i32, i32) {
    %c0_i32 = arith.constant 0 : i32
    %c0_i32_0 = arith.constant 0 : i32
    return %arg0, %c0_i32 : i32, i32
  }
}

module attributes {stable_mosaic.version = 14 : i64} {
  func.func @_mlp_body(%arg0: i32, %arg1: memref<256x256xf32, #tpu.memory_space<vmem>>, %arg2: memref<256x128xf32, #tpu.memory_space<vmem>>, %arg3: memref<1x128xf32, #tpu.memory_space<vmem>>, %arg4: memref<1x128xf32, #tpu.memory_space<vmem>>, %arg5: memref<1x1xf32, #tpu.memory_space<vmem>>, %arg6: memref<256x1xf32, #tpu.memory_space<vmem>>) attributes {dimension_semantics = [#tpu.dimension_semantics<arbitrary>], iteration_bounds = array<i64: 20>, scalar_prefetch = 0 : i64, scratch_operands = 0 : i64, tpu.core_type = #tpu.core_type<tc>, window_params = [{transform_indices = @transform_0, window_bounds = array<i64: 256, 256>}, {pipeline_mode = #tpu.pipeline_mode<synchronous>, transform_indices = @transform_1, window_bounds = array<i64: 256, 128>}, {pipeline_mode = #tpu.pipeline_mode<synchronous>, transform_indices = @transform_2, window_bounds = array<i64: 1, 128>}, {pipeline_mode = #tpu.pipeline_mode<synchronous>, transform_indices = @transform_3, window_bounds = array<i64: 1, 128>}, {pipeline_mode = #tpu.pipeline_mode<synchronous>, transform_indices = @transform_4, window_bounds = array<i64: 1, 1>}, {transform_indices = @transform_5, window_bounds = array<i64: 256, 1>}]} {
    %get3A = arith.constant 0 : index
    %get3A_0 = arith.constant 0 : index
    %get3A_1 = vector.load %arg1[%get3A, %get3A_0] : memref<256x256xf32, #tpu.memory_space<vmem>>, vector<256x256xf32>
    %get3A_2 = arith.constant 0 : index
    %get3A_3 = arith.constant 0 : index
    %get3A_4 = vector.load %arg2[%get3A_2, %get3A_3] : memref<256x128xf32, #tpu.memory_space<vmem>>, vector<256x128xf32>
    %dot_general3A = arith.constant dense<0.000000e+00> : vector<256x128xf32>
    %dot_general3A_5 = tpu.matmul %get3A_1, %get3A_4, %dot_general3A {dimension_numbers = #tpu.dot_dimension_numbers<[1], [0], [0], [1], [0, 0, 1, 1], [], []>, transpose_lhs_hint = false} : vector<256x256xf32>, vector<256x128xf32>, vector<256x128xf32> -> vector<256x128xf32>
    %get3A_6 = arith.constant 0 : index
    %get3A_7 = arith.constant 0 : index
    %get3A_8 = vector.load %arg3[%get3A_6, %get3A_7] : memref<1x128xf32, #tpu.memory_space<vmem>>, vector<1x128xf32>
    %add3A = vector.broadcast %get3A_8 : vector<1x128xf32> to vector<256x128xf32>
    %add3A_9 = arith.addf %dot_general3A_5, %add3A : vector<256x128xf32>
    %max3A = arith.constant 0.000000e+00 : f32
    %max3A_10 = vector.broadcast %max3A : f32 to vector<256x128xf32>
    %max3A_11 = arith.maximumf %add3A_9, %max3A_10 : vector<256x128xf32>
    %get3A_12 = arith.constant 0 : index
    %get3A_13 = arith.constant 0 : index
    %get3A_14 = vector.load %arg4[%get3A_12, %get3A_13] : memref<1x128xf32, #tpu.memory_space<vmem>>, vector<1x128xf32>
    %mul3A = vector.broadcast %get3A_14 : vector<1x128xf32> to vector<256x128xf32>
    %mul3A_15 = arith.mulf %max3A_11, %mul3A : vector<256x128xf32>
    %reduce_sum3A = arith.constant dense<0.000000e+00> : vector<256xf32>
    %reduce_sum3A_16 = vector.multi_reduction <add>, %mul3A_15, %reduce_sum3A [1] : vector<256x128xf32> to vector<256xf32>
    %broadcast_in_dim3A = vector.shape_cast %reduce_sum3A_16 : vector<256xf32> to vector<256x1xf32>
    %get3A_17 = arith.constant 0 : index
    %get3A_18 = arith.constant 0 : index
    %get3A_19 = vector.load %arg5[%get3A_17, %get3A_18] : memref<1x1xf32, #tpu.memory_space<vmem>>, vector<1x1xf32>
    %add3A_20 = vector.broadcast %get3A_19 : vector<1x1xf32> to vector<256x1xf32>
    %add3A_21 = arith.addf %broadcast_in_dim3A, %add3A_20 : vector<256x1xf32>
    %swap3A = arith.constant 0 : index
    %swap3A_22 = arith.constant 0 : index
    %swap3A_23 = vector.load %arg6[%swap3A, %swap3A_22] : memref<256x1xf32, #tpu.memory_space<vmem>>, vector<256x1xf32>
    tpu.vector_store %arg6[%swap3A, %swap3A_22], %add3A_21 {strides = array<i32>} : memref<256x1xf32, #tpu.memory_space<vmem>>, vector<256x1xf32>,
    return
  }
  func.func @transform_0(%arg0: i32) -> (i32, i32) {
    %c0_i32 = arith.constant 0 : i32
    %c0_i32_0 = arith.constant 0 : i32
    return %arg0, %c0_i32 : i32, i32
  }
  func.func @transform_1(%arg0: i32) -> (i32, i32) {
    %c0_i32 = arith.constant 0 : i32
    %c0_i32_0 = arith.constant 0 : i32
    %c0_i32_1 = arith.constant 0 : i32
    return %c0_i32, %c0_i32_0 : i32, i32
  }
  func.func @transform_2(%arg0: i32) -> (i32, i32) {
    %c0_i32 = arith.constant 0 : i32
    %c0_i32_0 = arith.constant 0 : i32
    %c0_i32_1 = arith.constant 0 : i32
    return %c0_i32, %c0_i32_0 : i32, i32
  }
  func.func @transform_3(%arg0: i32) -> (i32, i32) {
    %c0_i32 = arith.constant 0 : i32
    %c0_i32_0 = arith.constant 0 : i32
    %c0_i32_1 = arith.constant 0 : i32
    return %c0_i32, %c0_i32_0 : i32, i32
  }
  func.func @transform_4(%arg0: i32) -> (i32, i32) {
    %c0_i32 = arith.constant 0 : i32
    %c0_i32_0 = arith.constant 0 : i32
    %c0_i32_1 = arith.constant 0 : i32
    return %c0_i32, %c0_i32_0 : i32, i32
  }
  func.func @transform_5(%arg0: i32) -> (i32, i32) {
    %c0_i32 = arith.constant 0 : i32
    %c0_i32_0 = arith.constant 0 : i32
    return %arg0, %c0_i32 : i32, i32
  }
}

</mosaic_0001>

<sc_bundles>
// kernel: scatter_offload_async_start.1
scs
__scs_entry_jumppad:
0x0: {  	(pc) =	sbr.rel $0x88, $3  }
0x1: {  	(tag) =	ssettag $0x0;
	lr =	simm.s32 $0x1  }
0x2: {  	[smem:$0x3F90] =	sst lr;
	_ =	strace $0xD0000000  }
0x3: {  	_ = 	snop  }
0x4: {  	_ = 	snop  }
0x5: {  	_ = 	snop  }
0x6: {  	_ = 	snop  }
0x7: {  	_ = 	snop  }
__scs_overlays_trampoline_lowered:
0x8: {  	[smem:$0x3F9F] =	sst s0  }
0x9: {  	[smem:$0x3FA0] =	sst s1  }
0xa: {  	[smem:$0x3FA1] =	sst s2  }
0xb: {  	[smem:$0x3FA2] =	sst s3  }
0xc: {  	[smem:$0x3FA3] =	sst s4  }
0xd: {  	[smem:$0x3FA4] =	sst s5  }
0xe: {  	[smem:$0x3FA5] =	sst s6  }
0xf: {  	[smem:$0x3FA6] =	sst s7  }
0x10: {  	[smem:$0x3FA7] =	sst s8  }
0x11: {  	[smem:$0x3FA8] =	sst s9;
	s0 =	simm.s32 @!p0 $0x0  }
0x12: {  	s1 =	sld [smem:$0x3F8E];
	s0 =	simm.s32 @p0 $0x1  }
0x13: {  	[smem:$0x3FA9] =	sst s0;
	s0 =	simm.s32 @!p1 $0x0  }
0x14: {  	s2 =	sld [smem:$0x3F8D];
	s0 =	simm.s32 @p1 $0x1  }
0x15: {  	[smem:$0x3FAA] =	sst s0;
	s0 =	simm.s32 @!p2 $0x0  }
0x16: {  	s3 =	sld [smem:$0x3FDB];
	s0 =	simm.s32 @p2 $0x1  }
0x17: {  	s4 =	simm.s32 $0x1BF5;
	[smem:$0x3FAC] =	sst s0  }
0x18: {  	s0 =	sld [smem:$0x3F8F];
	_ =	swait.ge [sflag:s4], $0x0  }
0x19: {  	s7 =	sld [smem:$0x3F90]  }
0x1a: {  	s8 =	sadd.s32 $0xFFFFE003, lr  }
0x1b: {  	s9 =	sadd.s32 $0xFFFFFEF7, lr;
	s5 =	simm.s32 $0xFFFFFFFF;
	p2 =	slt.u32 s8, $0xFFFFF086  }
0x1c: {  	p1 =	slt.u32 s9, $0xF7A;
	s5 =	simm.s32 @!p2 $0x0  }
0x1d: {  	s5 =	simm.s32 @p1 $0x1;
	p0 =	seq.s32 s7, s2  }
0x1e: {  	s7 =	smul.u32 @!p0 $0xF7A, s2;
	p2 =	seq.s32 @!p0 s5, $0x0  }
0x1f: {  	s9 =	smul.u32 $0xF7A, s1;
	s8 =	simm.s32 @!p0 $0x1BF5;
	p2 =	por !p2, p0  }
0x20: {  	[sflag:s8] =	ssyncset.s32 @!p0 $0xFFFFF086;
	s6 =	sadd.s32 @!p0 s3, s7;
	s7 =	simm.s32 @!p0 $0x108  }
0x21: {  	s3 =	sadd.s32 s3, s9;
	s6 =	sadd.s32 @!p0 $0x88, s6;
	s7 =	simm.s32 @p2 $0x1082  }
0x22: {  	[simem:s7], [sflag:s8] =	dma.local @!p0 [hbm:s6], $0xF7A  }
0x23: {  	s9 =	sor.u32 $0xD0000000, s2;
	s6 =	simm.s32 $0x108;
	_ =	swait.ge @!p0 [sflag:s8], $0x0  }
0x24: {  	s3 =	sadd.s32 $0x88, s3;
	s6 =	simm.s32 @!p1 $0x1082;
	[sflag:s4] =	ssyncset.s32 $0xFFFFF086  }
0x25: {  	[simem:s6], [sflag:s4] =	dma.local [hbm:s3], $0xF7A  }
0x26: {  	[smem:$0x3F90] =	sst s1;
	(tag) =	ssettag s2;
	_ =	strace s9  }
0x27: {  	s1 =	sld [smem:$0x3FA0]  }
0x28: {  	s2 =	sld [smem:$0x3FA1]  }
0x29: {  	s4 =	sld [smem:$0x3FA3]  }
0x2a: {  	p0 =	seq.s32 s5, $0x0;
	s5 =	sld [smem:$0x3FA4]  }
0x2b: {  	s6 =	sld [smem:$0x3FA5]  }
0x2c: {  	s7 =	sld [smem:$0x3FA6]  }
0x2d: {  	s3 =	simm.s32 $0x108;
	s8 =	sld [smem:$0x3FA7]  }
0x2e: {  	s3 =	simm.s32 @!p0 $0x1082;
	s9 =	sld [smem:$0x3FA8]  }
0x2f: {  	lr =	sadd.s32 s0, s3;
	s0 =	sld [smem:$0x3F9F]  }
0x30: {  	s3 =	sld [smem:$0x3FA2]  }
0x31: {  	[smem:$0x3FAB] =	sst s10  }
0x32: {  	s10 =	sld [smem:$0x3FA9];
	_ =	sdelay $0x3  }
0x33: {  	p0 =	seq.s32 s10, $0x1;
	s10 =	sld [smem:$0x3FAB];
	_ =	sdelay $0x3  }
0x34: {  	[smem:$0x3FAB] =	sst s10  }
0x35: {  	s10 =	sld [smem:$0x3FAA];
	_ =	sdelay $0x3  }
0x36: {  	p1 =	seq.s32 s10, $0x1;
	s10 =	sld [smem:$0x3FAB];
	_ =	sdelay $0x3  }
0x37: {  	[smem:$0x3FAB] =	sst s10  }
0x38: {  	s10 =	sld [smem:$0x3FAC]  }
0x39: {  	_ = 	snop;
	(pc) =	sbr.ind lr, $3  }
0x3a: {  	_ = 	snop  }
0x3b: {  	_ = 	snop  }
0x3c: {  	p2 =	seq.s32 s10, $0x1;
	s10 =	sld [smem:$0x3FAB]  }
0x3d: {  	_ =	shalt  }
0x3e: {  	_ =	shalt  }
0x3f: {  	_ =	shalt  }
0x40: {  	_ =	shalt  }
0x41: {  	_ =	shalt  }
0x42: {  	_ =	shalt  }
0x43: {  	_ =	shalt  }
0x44: {  	_ =	shalt  }
0x45: {  	_ =	shalt  }
0x46: {  	_ =	shalt  }
0x47: {  	_ =	shalt  }
0x48: {  	_ =	shalt  }
0x49: {  	_ =	shalt  }
0x4a: {  	_ =	shalt  }
0x4b: {  	_ =	shalt  }
0x4c: {  	_ =	shalt  }
0x4d: {  	_ =	shalt  }
0x4e: {  	_ =	shalt  }
0x4f: {  	_ =	shalt  }
0x50: {  	_ =	shalt  }
0x51: {  	_ =	shalt  }
0x52: {  	_ =	shalt  }
0x53: {  	_ =	shalt  }
0x54: {  	_ =	shalt  }
0x55: {  	_ =	shalt  }
0x56: {  	_ =	shalt  }
0x57: {  	_ =	shalt  }
0x58: {  	_ =	shalt  }
0x59: {  	_ =	shalt  }
0x5a: {  	_ =	shalt  }
0x5b: {  	_ =	shalt  }
0x5c: {  	_ =	shalt  }
0x5d: {  	_ =	shalt  }
0x5e: {  	_ =	shalt  }
0x5f: {  	_ =	shalt  }
0x60: {  	_ =	shalt  }
0x61: {  	_ =	shalt  }
0x62: {  	_ =	shalt  }
0x63: {  	_ =	shalt  }
0x64: {  	_ =	shalt  }
0x65: {  	_ =	shalt  }
0x66: {  	_ =	shalt  }
0x67: {  	_ =	shalt  }
0x68: {  	_ =	shalt  }
0x69: {  	_ =	shalt  }
0x6a: {  	_ =	shalt  }
0x6b: {  	_ =	shalt  }
0x6c: {  	_ =	shalt  }
0x6d: {  	_ =	shalt  }
0x6e: {  	_ =	shalt  }
0x6f: {  	_ =	shalt  }
0x70: {  	_ =	shalt  }
0x71: {  	_ =	shalt  }
0x72: {  	_ =	shalt  }
0x73: {  	_ =	shalt  }
0x74: {  	_ =	shalt  }
0x75: {  	_ =	shalt  }
0x76: {  	_ =	shalt  }
0x77: {  	_ =	shalt  }
0x78: {  	_ =	shalt  }
0x79: {  	_ =	shalt  }
0x7a: {  	_ =	shalt  }
0x7b: {  	_ =	shalt  }
0x7c: {  	_ =	shalt  }
0x7d: {  	_ =	shalt  }
0x7e: {  	_ =	shalt  }
0x7f: {  	_ =	shalt  }
0x80: {  	_ =	shalt  }
0x81: {  	_ =	shalt  }
0x82: {  	_ =	shalt  }
0x83: {  	_ =	shalt  }
0x84: {  	_ =	shalt  }
0x85: {  	_ =	shalt  }
0x86: {  	_ =	shalt  }
0x87: {  	_ =	shalt  }
.Lfunc_end0:
.L_simem_size_0:
called_computation.1_lowered:
.L_overlay_start_0:
0x88: {  	s0 =	sld [smem:$0x3FD9]  }
0x89: {  	s1 =	sld [smem:$0x3FFE];
	_ =	sdelay $0x3  }
0x8a: {  	s0 =	sadd.s32 s1, s0  }
0x8b: {  	[smem:$0x3FB7] =	sst s0  }
0x8c: {  	_ = 	snop  }
0x8d: {  	(tm) =	ssettm $0x1  }
0x8e: {  	s15 =	sld [smem:$0x3FFB];
	_ =	sdelay $0x3  }
0x8f: {  	_ =	strace s15  }
0x90: {  	s0 =	sld [smem:$0x3FFC];
	_ =	sdelay $0x3  }
0x91: {  	_ =	strace s0  }
0x92: {  	s0 =	sld [smem:$0x3FFD];
	_ =	sdelay $0x3  }
0x93: {  	_ =	strace s0  }
0x94: {  	_ =	strace $0x8FFFFFFF  }
0x95: {  	s16 =	sld [smem:$0x3FDB];
	_ =	sdelay $0x1  }
0x96: {  	s17 =	simm.s32 $_scs_section_size  }
0x97: {  	s2 =	simm.s32 $_size__tile_overlayer_lowered;
	s3 =	simm.s32 $_tile_overlayer_lowered  }
0x98: {  	s20 =	simm.s32 $0x1BFF;
	s19 =	sshll.u32 s3, $0x1;
	s0 =	sadd.s32 s17, s16  }
0x99: {  	s4 =	simm.s32 $0x0;
	s18 =	sshll.u32 s2, $0x1;
	s2 =	sadd.s32 s19, s0  }
0x9a: {  	[timem:s4], [sflag:s20] =	dma.local [hbm:s2], s18  }
0x9b: {  	_ =	swait.ge [sflag:s20], s18  }
0x9c: {  	s1 =	ssub.s32 $0x0, s18;
	[sflag:s20] =	ssyncset.done $0x0  }
0x9d: {  	[sflag:s20] =	ssyncadd.s32 s1;
	_ =	sdelay $0x1  }
0x9e: {  	s21 =	simm.s32 $0x1B8B  }
0x9f: {  	_ =	swait.ge [sflag:s21], $0x1  }
0xa0: {  	[sflag:s21] =	ssyncset.done $0x0  }
0xa1: {  	s23 =	simm.s32 $0x1B8E;
	s22 =	sld [smem:$0x3FFE];
	[sflag:s21] =	ssyncadd.s32 $0xFFFFFFFF  }
0xa2: {  	s24 =	simm.s32 $execute0_lowered;
	[smem:$0x3FD2] =	sst s23  }
0xa3: {  	s2 =	sshll.u32 s24, $0x1;
	_ =	strace $0x80000046;
	[dreg:$0x1] =	wrdreg $0xFFFFFFFF  }
0xa4: {  	s25 =	simm.s32 $_size_execute0_lowered;
	s0 =	sadd.s32 s0, s2;
	[dreg:$0x0] =	wrdreg $0x0  }
0xa5: {  	s2 =	sshll.u32 s25, $0x1;
	[dreg:$0x2] =	wrdreg s0  }
0xa6: {  	[dreg:$0x3] =	wrdreg s2  }
0xa7: {  	[dreg:$0x4] =	wrdreg $0xC0  }
0xa8: {  	_ =	task [dreg:s4], $0x5FFFF  }
0xa9: {  	[dreg:$0x1] =	wrdreg $0xFFFFFFFF  }
0xaa: {  	[dreg:$0x0] =	wrdreg $0x60  }
0xab: {  	[dreg:$0x2] =	wrdreg s22  }
0xac: {  	[dreg:$0x3] =	wrdreg $0x9  }
0xad: {  	_ =	task.clear_ibuf [dreg:s4], $0x4FFFF;
	_ =	strace $0x90000046  }
0xae: {  	s26 =	simm.s32 $0x9;
	_ =	strace $0x80000048  }
0xaf: {  	_ =	swait.ge [sflag:s26], $0x1  }
0xb0: {  	[sflag:s26] =	ssyncadd.s32 $0xFFFFFFFF  }
0xb1: {  	_ =	strace $0x90000048  }
0xb2: {  	_ =	sfence  }
0xb3: {  	s28 =	sld [smem:$0x0];
	_ =	sdelay $0x1  }
0xb4: {  	s29 =	srdreg.scid  }
0xb5: {  	s30 =	sshll.u32 s29, $0xD;
	s31 =	sshrl.u32 s29, $0x2  }
0xb6: {  	s1 =	sand.u32 $0x1, s29;
	s2 =	sand.u32 $0x4000, s30;
	s0 =	sadd.s32 s31, s28  }
0xb7: {  	s1 =	sor.u32 s2, s1;
	s0 =	sshll.u32 s0, $0x11  }
0xb8: {  	s0 =	sor.u32 s0, s1  }
0xb9: {  	s0 =	sadd.s32 $0x8F2B, s0  }
0xba: {  	[sflag:s0] =	ssyncadd.remote.s32 $0x1  }
0xbb: {  	_ =	sfence.sel $0xFFFF  }
0xbc: {  	[dreg:$0x0] =	wrdreg $0xFFFFFFFF;
	(pc) =	sbr.abs _section_cstart, $3  }
0xbd: {  	[dreg:$0x1] =	wrdreg $0xFFFFFFFF  }
0xbe: {  	_ =	task.clear_ibuf [dreg:s4], $0x2FFFF;
	_ =	strace $0x9FFFFFFF  }
0xbf: {  	(tm) =	ssettm $0x7FFFFFFF  }
tec
execute0_lowered:
.L_overlay_start_1:
0x0: {  	(tag) =	ssettag $0x1  }
0x1: {  	s0 =	rddreg [dreg:$0x0];
	_ =	strace $0x80000047;
	s15 =	stileid.u32  }
0x2: {  	s2 =	simm.s32 $0x1;
	s1 =	smin.u32 s15, $0x8;
	s3 =	sshll.u32 s15, $0x1  }
0x3: {  	v1 =	vimm.s32 $0xFFFFFFFF;
	[sflag:s2] =	ssyncpa.u1 $0x0;
	s1 =	sadd.s32 s1, s3  }
0x4: {  	p0 =	slt.u32 s15, $0x8;
	[tilespmem:$0x10] =	vst v1;
	s4 =	smul.u32 $0x1F40, s1;
	s1 =	simm.s32 $0x5DC0  }
0x5: {  	v0 =	vimm.f32 $0.0e+00;
	[tilespmem:$0x20] =	vst v1;
	s1 =	simm.s32 @!p0 $0x3E80  }
0x6: {  	[tilespmem:$0x30] =	vst v0;
	s1 =	sadd.s32 s1, s4  }
0x7: {  	[tilespmem:$0x40] =	vst v0;
	s5 =	smin.u32 s1, $0x4E200  }
0x8: {  	s7 =	simm.s32 $0x2;
	s8 =	simm.s32 $0x8;
	[tilespmem:$0x50] =	vst v0;
	s9 =	ssub.s32 s5, s4  }
0x9: {  	s31 =	simm.s32 $0x9;
	s16 =	simm.s32 $0x0;
	[tilespmem:$0x60] =	vst v1;
	p0 =	sgt.s32 s9, $0x0  }
0xa: {  	s17 =	simm.s32 $0xF0;
	s18 =	simm.s32 $0xFFFFFFFF;
	[tilespmem:$0x70] =	vst v1;
	s9 =	simm.s32 @!p0 $0x0  }
0xb: {  	s19 =	simm.s32 $0xFFFFC280;
	s20 =	simm.s32 $0xFFFFFFFE;
	[tilespmem:$0x80] =	vst v1;
	s30 =	smulhi.u32 $0x10624DD3, s9  }
0xc: {  	s21 =	simm.s32 $0xF;
	s25 =	simm.s32 $0x0;
	s24 =	simm.s32 $0x0;
	v1 =	vimm.s32 $0x0;
	[tilespmem:$0xB0] =	vst v0  }
0xd: {  	s6 =	sadd.s32 $0x1A00, s0;
	s15 =	sshllo.u32 s15, $0x1;
	[tilespmem:$0x90] =	vst v1;
	s10 =	sshrl.u32 s30, $0x9  }
0xe: {  	[tilespmem:$0xA0] =	vst v1;
	[sflag:s7] =	ssyncpa.u1 $0x0;
	s7 =	simm.s32 $0x7;
	s11 =	smul.u32 $0x1F40, s10  }
.Ltmp0:
0xf: {  	s13 =	sor.u32 $0x80, s3;
	[sflag:s7] =	ssyncpa.u1 $0x0;
	(pc) =	sbr.rel .LBB2_1-.Ltmp0, $4  }
0x10: {  	s14 =	sor.u32 $0x81, s3;
	[sflag:s8] =	ssyncpa.u1 $0x0;
	p0 =	sne.s32 s9, s11  }
0x11: {  	s23 =	smov.u32 s4;
	s1 =	sadd.s32 $0x48400, s0;
	s2 =	simm.s32 @!p0 $0x0  }
0x12: {  	vm0 =	vmmov $0xffff;
	v2 =	vlaneseq.u32;
	[sflag:s31] =	ssyncpa.u1 $0x0;
	s9 =	sadd.s32 $0x3E600, s0;
	s10 =	sadd.s32 s2, s10  }
0x13: {  	vm1 =	vmxor vm1, vm1;
	vm2 =	vmmov $0x1;
	vm3 =	vcmask $0x3F3C;
	p0 =	por $0x0, $0x0;
	s11 =	sadd.s32 $0x1, s10;
	s12 =	sadd.s32 $0x2, s10  }
.LBB2_9:
0x14: {  	p1 =	slt.u32 s24, $0x3  }
0x15: {  	s0 =	simm.s32 @!p1 $0x2  }
0x16: {  	_ =	swait.ge @!p1 [sflag:s0], $0x1F40  }
0x17: {  	[sflag:s0] =	ssyncset.done @!p1 $0x0  }
0x18: {  	[sflag:s0] =	ssyncadd.s32 @!p1 $0xFFFFE0C0;
	s0 =	simm.s32 @!p1 $0x9  }
0x19: {  	_ =	swait.ge @!p1 [sflag:s0], $0x10  }
0x1a: {  	[sflag:s0] =	ssyncset.done @!p1 $0x0  }
0x1b: {  	[sflag:s0] =	ssyncadd.s32 @!p1 $0xFFFFFFF0;
	p1 =	sne.s32 s24, s12  }
.Ltmp1:
0x1c: {  	s2 =	sadd.s32 $0x1F40, s23;
	(pc) =	sbr.rel @!p1 .LBB2_10-.Ltmp1, $4  }
0x1d: {  	s22 =	smov.u32 s4;
	s31 =	sadd.s32 $0x1, s24;
	s17 =	sadd.s32 $0x1F40, s17  }
0x1e: {  	s18 =	sadd.s32 $0x1, s18;
	s25 =	smov.u32 s23;
	p2 =	slt.s32 s2, s5  }
0x1f: {  	p0 =	por !p0, !p0;
	s19 =	sadd.s32 $0x1F40, s19;
	s22 =	smov.u32 @p2 s2  }
0x20: {  	s20 =	sadd.s32 $0x1, s20;
	s23 =	smov.u32 s22;
	s24 =	smov.u32 s31  }
.LBB2_1:
0x21: {  	p1 =	sge.u32 s24, s10  }
0x22: {  	s0 =	smulhi.u32 @!p1 $0xAAAAAAAB, s24;
	_ =	sdelay $0x1  }
0x23: {  	s0 =	sshrl.u32 @!p1 s0, $0x1  }
0x24: {  	s0 =	smul.u32 @!p1 $0x3, s0;
	_ =	sdelay $0x1  }
0x25: {  	s0 =	ssub.s32 @!p1 s24, s0  }
0x26: {  	s0 =	smul.u32 @!p1 $0x7D00, s0;
	_ =	sdelay $0x1  }
0x27: {  	s2 =	sshrl.u32 @!p1 s23, $0x3;
	s0 =	sshrl.u32 @!p1 s0, $0x2  }
0x28: {  	s22 =	sand.u32 @!p1 $0x7, s23;
	s2 =	sadd.s32 @!p1 s6, s2;
	s0 =	sadd.s32 @!p1 $0x100, s0  }
0x29: {  	[tilespmem:s0], [sflag:$0x7] =	stream.linear.gather @!p1 [hbm4b:s2+s22], $0x1F40, $0x38;
	[tilespmem:$0x11A60] =	vst v63  }
0x2a: {  	s0 =	sadd.s32 $0xFFFFFFFF, s24  }
0x2b: {  	p1 =	sge.u32 s0, s10  }
.Ltmp2:
0x2c: {  	_ = 	snop;
	(pc) =	sbr.rel @p1 .LBB2_5-.Ltmp2, $1  }
0x2d: {  	_ =	sdelay $0x3  }
0x2e: {  	s2 =	smulhi.u32 $0xAAAAAAAB, s0;
	_ =	sdelay $0x1  }
0x2f: {  	s2 =	sshrl.u32 s2, $0x1  }
0x30: {  	s2 =	smul.u32 $0x3, s2;
	_ =	sdelay $0x1  }
0x31: {  	s2 =	ssub.s32 s0, s2  }
0x32: {  	s2 =	smul.u32 $0x7D00, s2  }
0x33: {  	_ =	swait.ge [sflag:s7], $0x1F40  }
0x34: {  	[sflag:s7] =	ssyncset.done $0x0;
	s2 =	sshrl.u32 s2, $0x2  }
0x35: {  	[sflag:s7] =	ssyncadd.s32 $0xFFFFE0C0;
	(ifvalue) =	ssetifvalue $0xFFFFFFFF;
	v3 =	vld.msk [tilespmem:s2+$0x100 ss:$0x1], $0xffff;
	_ =	sdelay $0x2  }
0x36: {  	s30 =	smulhi.u32 $0xAAAAAAAB, s18;
	p1 =	sne.s32 s24, $0x1  }
0x37: {  	v4 =	vimm.s32 @!p1 $0x0  }
0x38: {  	s2 =	sshrl.u32 s30, $0x1;
	v4 =	vperm.xlane @!p1 v3, v4  }
0x39: {  	s22 =	sshll.u32 s24, $0x4;
	s2 =	smul.u32 $0xFFFE8900, s2;
	vm4 =	vlt.u32 v3, $0x2800  }
0x3a: {  	s22 =	sand.u32 $0x10, s22;
	v3 =	vnsel vm4, $0xFFFFFFFE, v3;
	vm4 =	vlt.u32 @!p1 v4, $0x2800  }
0x3b: {  	s2 =	sshra.s32 s2, $0x2;
	[tilespmem:s22+$0x60] =	vst v3;
	v3 =	vnsel @!p1 vm4, $0xFFFFFFFE, v4  }
0x3c: {  	s28 =	sadd.s32 s2, s17;
	[tilespmem:$0x80] =	vst @!p1 v3  }
0x3d: {  	v3 =	vld.msk [tilespmem:s28+$0x0 ss:$0x1], $0xffff;
	_ =	sdelay $0x4  }
0x3e: {  	(xrf1) =	vunique.msk.u32 $0xffff, v3;
	_ =	sdelay $0xd  }
0x3f: {  	v4 =	vimm.s32 $0xFFFFFFFF;
	v5, _, _ =	vpop (xrf1)  }
0x40: {  	vm5 =	vne.s32 v3, v4;
	vm4 =	veq.s32 v5, v2  }
0x41: {  	vm6 =	vlt.u32 v3, $0x2800;
	vm4 =	vmand vm5, vm4  }
0x42: {  	vm4 =	vmand vm6, vm4  }
0x43: {  	v4 =	vnsel vm4, $0xFFFFFFFF, v3  }
0x44: {  	s31 =	sand.u32 $0x1, s0  }
0x45: {  	s0 =	simm.s32 $0x1F40;
	p1 =	seq.s32 s31, $0x1  }
0x46: {  	s0 =	simm.s32 @!p1 $0x0  }
0x47: {  	s26 =	sadd.s32 $0x7DF0, s0;
	(ifvalue) =	ssetifvalue $0xFFFFFFFF  }
0x48: {  	v3 =	vperm.xlane v3, v1;
	[tilespmem:s26], [sflag:$0x8] =	stream.indirect_vreg.gather [hbm4b:s1+s16], $0x1, v4, vm0, $0x4038;
	v4 =	vnsel vm6, $0xFFFFFFFE, v4;
	[tilespmem:$0x11A60] =	vst v63  }
0x49: {  	s2 =	simm.s32 $0x0;
	s22 =	sadd.s32 $0xFFFFFFF0, s28;
	[tilespmem:s28+$0x0] =	vst v4  }
.LBB2_3:
0x4a: {  	v4 =	vld.msk [tilespmem:s22+$0x0 ss:$0x1], $0xffff;
	s2 =	sadd.s32 $0x10, s2;
	v5 =	vmov v3;
	s28 =	smov.u32 s22  }
0x4b: {  	p1 =	slt.u32 s2, $0x1F30;
	_ =	sdelay $0x4  }
0x4c: {  	v3 =	vperm.xlane v4, v1;
	(xrf1) =	vunique.msk.u32 $0xffff, v4;
	_ =	sdelay $0xd  }
0x4d: {  	v6, _, _ =	vpop (xrf1)  }
0x4e: {  	vm5 =	vne.s32 v4, v5;
	vm4 =	veq.s32 v6, v2  }
0x4f: {  	vm6 =	vlt.u32 v4, $0x2800;
	vm4 =	vmand vm5, vm4  }
0x50: {  	vm4 =	vmand vm6, vm4  }
0x51: {  	v4 =	vnsel vm4, $0xFFFFFFFF, v4  }
.Ltmp3:
0x52: {  	v5 =	vnsel vm6, $0xFFFFFFFE, v4;
	(pc) =	sbr.rel @p1 .LBB2_3-.Ltmp3, $3  }
0x53: {  	_ =	sdelay $0x1  }
0x54: {  	s22 =	sadd.s32 $0xFFFFFFF0, s22;
	s26 =	sadd.s32 $0xFFFFFFF0, s26;
	(ifvalue) =	ssetifvalue $0xFFFFFFFF  }
0x55: {  	[tilespmem:s26], [sflag:$0x8] =	stream.indirect_vreg.gather [hbm4b:s1+s16], $0x1, v4, vm0, $0x4038;
	[tilespmem:s28+$0x0] =	vst v5  }
0x56: {  	s2 =	sshrl.u32 s25, $0x3  }
0x57: {  	s0 =	sadd.s32 $0x9D40, s0;
	s2 =	sadd.s32 s9, s2  }
0x58: {  	[tilespmem:s0], [sflag:$0x8] =	stream.linear.gather [hbm:s2], $0x1F40, $0x38;
	[tilespmem:$0x11A60] =	vst v63  }
.LBB2_5:
0x59: {  	p1 =	slt.u32 s24, $0x2  }
0x5a: {  	p2 =	sge.u32 @!p1 s24, s12  }
0x5b: {  	p1 =	por p1, p2  }
.Ltmp4:
0x5c: {  	_ = 	snop;
	(pc) =	sbr.rel @p1 .LBB2_9-.Ltmp4, $1  }
0x5d: {  	_ =	sdelay $0x3  }
0x5e: {  	s0 =	sadd.s32 $0xFFFFFFFE, s24  }
0x5f: {  	s2 =	smulhi.u32 $0xAAAAAAAB, s0;
	_ =	sdelay $0x1  }
0x60: {  	s2 =	sshrl.u32 s2, $0x1  }
0x61: {  	s2 =	smul.u32 $0x3, s2;
	_ =	sdelay $0x1  }
0x62: {  	s0 =	ssub.s32 s0, s2  }
0x63: {  	_ =	swait.ge [sflag:s8], $0x3E80;
	s0 =	smul.u32 $0x1F40, s0  }
0x64: {  	p1 =	sne.s32 s24, s11;
	[sflag:s8] =	ssyncset.done $0x0  }
0x65: {  	[sflag:s8] =	ssyncadd.s32 $0xFFFFC180;
	s2 =	sadd.s32 @!p1 $0x203F, s0  }
0x66: {  	[spmem:s14] =	stream.linear.scatter @!p1 [tilespmem:s2], [sflag:$0x1], $0x1, $0x38;
	[tilespmem:$0x11A60] =	vst v63  }
0x67: {  	s2 =	simm.s32 @!p1 $0x1  }
0x68: {  	_ =	swait.ge @!p1 [sflag:s2], $0x1  }
0x69: {  	s22 =	sshll.u32 s24, $0x4;
	[sflag:s2] =	ssyncset.done @!p1 $0x0  }
0x6a: {  	s25 =	sand.u32 $0x10, s22;
	[sflag:s2] =	ssyncadd.s32 @!p1 $0xFFFFFFFF  }
0x6b: {  	s2 =	sxor.u32 $0x10, s25;
	v4 =	vld [tilespmem:s25+$0x10]  }
0x6c: {  	v5 =	vld [tilespmem:s2+$0x60]  }
0x6d: {  	v3 =	vld [tilespmem:$0x80];
	_ =	sdelay $0x2  }
0x6e: {  	(v2sf) =	vpush v4, $0x0  }
0x6f: {  	(v2sf) =	vpush v5, $0x0  }
0x70: {  	(v2sf) =	vpush v3, $0x0;
	_ =	sdelay $0xc  }
0x71: {  	s22 =	spop (v2sf)  }
0x72: {  	s26 =	spop (v2sf)  }
0x73: {  	s28 =	spop (v2sf)  }
0x74: {  	p2 =	seq.s32 s22, s26;
	p3 =	seq.s32 s28, s22  }
0x75: {  	p3 =	por p2, p3  }
0x76: {  	s26 =	sand.u32 $0x1, s24;
	v4 =	vpsel p3, $0xFFFFFFFF, v4  }
0x77: {  	s29 =	smul.u32 $0x1F40, s26;
	[tilespmem:s25+$0x10] =	vst.msk $0x1, v4  }
0x78: {  	v4 =	vld [tilespmem:$0x30]  }
0x79: {  	v5 =	vld [tilespmem:s29+$0x9D40]  }
0x7a: {  	v6 =	vld [tilespmem:s25+$0x40];
	_ =	sdelay $0x3  }
0x7b: {  	vm4 =	vmmov vm1;
	v5 =	vadd.f32 v5, v4  }
0x7c: {  	vm5 =	vmmov vm2;
	vm4 =	vmmov @p2 vm2;
	s22 =	sshll.u32 s26, $0x4;
	v4 =	vadd.f32 v6, v4  }
0x7d: {  	s26 =	sor.u32 $0x11A40, s22;
	vm5 =	vmmov @p3 vm1;
	[tilespmem:s29+$0x9D40] =	vst.msk vm4, v5  }
0x7e: {  	[tilespmem:s26+$0x0] =	vst.msk vm5, v4  }
0x7f: {  	v4 =	vld [tilespmem:s29+$0x7DF0];
	_ =	sdelay $0x3  }
0x80: {  	v5 =	vimm.f32 $0.0e+00  }
0x81: {  	v4 =	vshift.insert v4, v5, s21  }
0x82: {  	s22 =	sor.u32 $0x40, s2  }
0x83: {  	[tilespmem:s22+$0x0] =	vst.msk $0x1, v4  }
0x84: {  	[tilespmem:s29+$0x7DFF] =	vst.msk $0x1, v5  }
0x85: {  	v4 =	vld [tilespmem:s0+$0x2030];
	_ =	sdelay $0x1  }
0x86: {  	s22 =	smulhi.u32 $0xAAAAAAAB, s20;
	s0 =	simm.s32 $0x1  }
0x87: {  	s0 =	simm.s32 @!p0 $0x0  }
0x88: {  	s22 =	sshrl.u32 s22, $0x1;
	s0 =	smul.u32 $0x7D00, s0  }
0x89: {  	s22 =	smul.u32 $0xFFFE8900, s22;
	v4 =	vshift.insert v4, v1, s21  }
0x8a: {  	s0 =	sshrl.u32 s0, $0x2  }
0x8b: {  	s22 =	sshra.s32 s22, $0x2;
	s30 =	sadd.s32 $0x9D40, s0;
	[tilespmem:s2+$0x10] =	vst.msk $0x1, v4  }
0x8c: {  	s22 =	sadd.s32 s22, s19;
	v6 =	vld [tilespmem:s30+$0x0]  }
0x8d: {  	v7 =	vld [tilespmem:s22+$0x0];
	_ =	sdelay $0x3  }
0x8e: {  	v5 =	vadd.f32 v6, v5  }
0x8f: {  	vm4 =	vne.s32 v7, $0xFFFFFFFF  }
0x90: {  	(xrf2) =	vadd.seg.scan.f32 vm4, v5;
	_ =	sdelay $0x3  }
0x91: {  	s31 =	sadd.s32 $0x5EC0, s0;
	v5 =	vperm.xlane v4, v1  }
0x92: {  	v6 =	vld [tilespmem:s31+$0x0]  }
0x93: {  	vm5 =	veq.s32 v7, v3;
	vm6 =	veq.s32 v7, v5  }
0x94: {  	vm7 =	vgt.u32 v7, $0xFFFFFFFD;
	vm6 =	vmor vm6, vm5  }
0x95: {  	vm6 =	vmor vm6, vm7  }
0x96: {  	v9 =	vld [tilespmem:$0xA0];
	v7 =	vsel vm6, $0xFFFFFFFF, v7  }
0x97: {  	v10 =	vld [tilespmem:$0x90];
	v6 =	vsel vm5, $0x0, v6;
	v8, _, _ =	vpop (xrf2)  }
0x98: {  	v6 =	vadd.f32 v8, v6  }
0x99: {  	s0 =	sadd.s32 $0xDBC0, s0  }
0x9a: {  	vm4 =	vmand vm4, vm3;
	[tilespmem:s0+$0x0] =	vst v6;
	(ifvalue) =	ssetifvalue $0xFFFFFFFF  }
0x9b: {  	vm6 =	veq.s32 v9, $0x1;
	[hbm4b:s1+s16] =	stream.indirect_vreg.scatter [tilespmem:s0], [sflag:$0x2], $0x1, v7, vm0, $0x4038;
	v7 =	vsel vm4, $0x0, v8;
	[tilespmem:$0x11A60] =	vst v63  }
0x9c: {  	s2 =	simm.s32 $0x0;
	s22 =	sadd.s32 $0x10, s22;
	vm4 =	vmor vm6, vm5;
	v6 =	vsel vm5, v8, v10;
	v7 =	vshift.insert v7, v0, s21  }
.LBB2_7:
0x9d: {  	v8 =	vld [tilespmem:s22+$0x0];
	s30 =	sadd.s32 $0x10, s30  }
0x9e: {  	s31 =	sadd.s32 $0x10, s31;
	v9 =	vld [tilespmem:s30+$0x0]  }
0x9f: {  	s2 =	sadd.s32 $0x10, s2;
	v10 =	vld [tilespmem:s31+$0x0]  }
0xa0: {  	p2 =	slt.u32 s2, $0x1F30;
	_ =	sdelay $0x2  }
0xa1: {  	v7 =	vadd.f32 v9, v7  }
0xa2: {  	vm5 =	vne.s32 v8, $0xFFFFFFFF  }
0xa3: {  	vm6 =	vmand vm5, vm3;
	(xrf2) =	vadd.seg.scan.f32 vm5, v7;
	_ =	sdelay $0x5  }
0xa4: {  	vm7 =	veq.s32 v8, v5;
	vm5 =	veq.s32 v8, v3  }
0xa5: {  	vm8 =	vgt.u32 v8, $0xFFFFFFFD;
	vm4 =	vmor vm4, vm5;
	vm7 =	vmor vm7, vm5  }
0xa6: {  	vm7 =	vmor vm7, vm8  }
0xa7: {  	v8 =	vsel vm7, $0xFFFFFFFF, v8  }
.Ltmp5:
0xa8: {  	v7 =	vsel vm5, $0x0, v10;
	v9, _, _ =	vpop (xrf2);
	(pc) =	sbr.rel @p2 .LBB2_7-.Ltmp5, $4  }
0xa9: {  	v6 =	vsel vm5, v9, v6;
	v10 =	vadd.f32 v9, v7;
	v7 =	vsel vm6, $0x0, v9  }
0xaa: {  	s0 =	sadd.s32 $0x10, s0;
	v7 =	vshift.insert v7, v0, s21  }
0xab: {  	s22 =	sadd.s32 $0x10, s22;
	[tilespmem:s0+$0x0] =	vst v10;
	(ifvalue) =	ssetifvalue $0xFFFFFFFF  }
0xac: {  	[hbm4b:s1+s16] =	stream.indirect_vreg.scatter [tilespmem:s0], [sflag:$0x2], $0x1, v8, vm0, $0x4038;
	[tilespmem:$0x11A60] =	vst v63  }
0xad: {  	v3 =	vld [tilespmem:s29+$0xFAF0];
	_ =	sdelay $0x4  }
0xae: {  	v3 =	vshift.insert v3, v0, s21  }
0xaf: {  	s0 =	simm.s32 $0x30  }
0xb0: {  	[tilespmem:s0+$0x0] =	vst.msk $0x1, v3  }
0xb1: {  	v3 =	vsel vm4, $0x1, v1;
	[tilespmem:$0x90] =	vst v6  }
0xb2: {  	s0 =	sadd.s32 @!p1 $0xFAFF, s29;
	[tilespmem:$0xA0] =	vst v3  }
0xb3: {  	[spmem:s15] =	stream.linear.scatter @!p1 [tilespmem:s0], [sflag:$0x1], $0x1, $0x38;
	[tilespmem:$0x11A60] =	vst v63  }
0xb4: {  	s0 =	simm.s32 @!p1 $0x1  }
0xb5: {  	v3 =	vmctz.xlane @!p1 vm4;
	_ =	swait.ge @!p1 [sflag:s0], $0x1  }
0xb6: {  	(v2sf) =	vpush @!p1 v4, $0x0  }
0xb7: {  	(v2sf) =	vpush @!p1 v3, $0x0;
	_ =	sdelay $0xd  }
0xb8: {  	s2 =	spop @!p1 (v2sf)  }
0xb9: {  	s22 =	spop @!p1 (v2sf)  }
0xba: {  	p2 =	sne.s32 @!p1 s28, s2;
	p3 =	slt.s32 @!p1 s22, $0xF  }
0xbb: {  	[sflag:s0] =	ssyncset.done @!p1 $0x0;
	p2 =	por p2, p1;
	p3 =	por !p3, p1  }
0xbc: {  	[sflag:s0] =	ssyncadd.s32 @!p1 $0xFFFFFFFF;
	v3 =	vimm.s32 @!p2 $0xFFFFFFFF;
	s22 =	simm.s32 @p3 $0xF  }
0xbd: {  	[tilespmem:$0x80] =	vst @!p2 v3;
	s2 =	sadd.s32 @!p1 $0x90, s22  }
0xbe: {  	[spmem:s3] =	stream.linear.scatter @!p1 [tilespmem:s2], [sflag:$0x1], $0x1, $0x38;
	[tilespmem:$0x11A60] =	vst v63  }
0xbf: {  	_ =	swait.ge @!p1 [sflag:s0], $0x1  }
0xc0: {  	[sflag:s0] =	ssyncset.done @!p1 $0x0  }
0xc1: {  	s2 =	simm.s32 @!p1 $0x80;
	[sflag:s0] =	ssyncadd.s32 @!p1 $0xFFFFFFFF  }
0xc2: {  	[spmem:s13] =	stream.linear.scatter @!p1 [tilespmem:s2], [sflag:$0x1], $0x1, $0x38;
	[tilespmem:$0x11A60] =	vst v63  }
0xc3: {  	_ =	swait.ge @!p1 [sflag:s0], $0x1  }
0xc4: {  	[sflag:s0] =	ssyncset.done @!p1 $0x0  }
0xc5: {  	[sflag:s0] =	ssyncadd.s32 @!p1 $0xFFFFFFFF;
	(ifvalue) =	ssetifvalue $0xFFFFFFFF;
	v3 =	vld [tilespmem:s25+$0x10];
	_ =	sdelay $0x3  }
.Ltmp6:
0xc6: {  	_ = 	snop;
	(pc) =	sbr.rel .LBB2_9-.Ltmp6, $3  }
0xc7: {  	_ =	sdelay $0x1  }
0xc8: {  	(ifvalue) =	ssetifvalue $0xFFFFFFFF  }
0xc9: {  	[hbm4b:s1+s16] =	stream.indirect_vreg.scatter [tilespmem:s26], [sflag:$0x9], $0x1, v3, vm0, $0x4038;
	[tilespmem:$0x11A60] =	vst v63  }
.LBB2_10:
0xca: {  	_ =	sfence.sel $0x180000  }
0xcb: {  	s0 =	simm.s32 $0x7;
	[bflag:$0x0] =	sbarrier.arrive $0xFFFF  }
0xcc: {  	s26 =	simm.s32 $0x8;
	[sflag:s0] =	ssyncpa.u1 $0x1  }
0xcd: {  	s28 =	simm.s32 $0x9;
	[sflag:s26] =	ssyncpa.u1 $0x1  }
0xce: {  	[sflag:s28] =	ssyncpa.u1 $0x1  }
0xcf: {  	_ =	sfence.stream.spmem  }
0xd0: {  	s29 =	simm.s32 $0x3;
	[bflag:$0x0] =	sbarrier.arrive $0xFFFF  }
0xd1: {  	s30 =	simm.s32 $0x4;
	[sflag:s29] =	ssyncpa.u1 $0x1  }
0xd2: {  	s31 =	simm.s32 $0x3C;
	s2 =	stileid.u32;
	[sflag:s30] =	ssyncpa.u1 $0x1  }
0xd3: {  	p0 =	sne.s32 s2, $0x0;
	[sflag:s31] =	ssyncpa.u1 $0x1  }
0xd4: {  	s0 =	simm.s32 @p0 $0x1;
	_ =	sfence @p0  }
0xd5: {  	[sflag:s0] =	ssyncpa.u1 @p0 $0x1;
	s0 =	simm.s32 @p0 $0x2  }
0xd6: {  	[sflag:s0] =	ssyncpa.u1 @p0 $0x1  }
0xd7: {  	_ =	strace @p0 $0x90000047  }
0xd8: {  	[bflag:$0x2] =	sbarrier.arrive @p0 $0xFFFF  }
0xd9: {  	_ =	shalt @p0  }
.LBB2_11:
0xda: {  	_ =	sfence.stream.spmem;
	s0 =	simm.s32 $0x5  }
0xdb: {  	s2 =	simm.s32 $0x80;
	s3 =	simm.s32 $0xC0;
	[sflag:s0] =	ssyncpa.u1 $0x0  }
0xdc: {  	[tilespmem:s3], [sflag:$0x5] =	stream.linear.gather [spmem:s2], $0x20, $0x38;
	[tilespmem:$0x11A60] =	vst v63  }
0xdd: {  	s2 =	simm.s32 $0x0;
	s3 =	simm.s32 $0xE0  }
0xde: {  	[tilespmem:s3], [sflag:$0x5] =	stream.linear.gather [spmem:s2], $0x20, $0x38;
	[tilespmem:$0x11A60] =	vst v63  }
.Ltmp7:
0xdf: {  	_ = 	snop;
	(pc) =	sbr.rel .LBB2_12-.Ltmp7, $4  }
0xe0: {  	_ =	swait.ge [sflag:s0], $0x40  }
0xe1: {  	[sflag:s0] =	ssyncset.done $0x0  }
0xe2: {  	s31 =	simm.s32 $0x6;
	[sflag:s0] =	ssyncadd.s32 $0xFFFFFFC0  }
0xe3: {  	s4 =	simm.s32 $0x0;
	[sflag:s31] =	ssyncpa.u1 $0x0  }
.LBB2_17:
0xe4: {  	p0 =	sgt.u32 s5, $0x27FF  }
0xe5: {  	s0 =	sshrl.u32 @!p0 s5, $0x3  }
0xe6: {  	s5 =	sand.u32 @!p0 $0x7, s5;
	s6 =	simm.s32 @!p0 $0xB0;
	s0 =	sadd.s32 @!p0 s1, s0  }
0xe7: {  	[tilespmem:s6], [sflag:$0x6] =	stream.linear.gather @!p0 [hbm4b:s0+s5], $0x1, $0x38;
	[tilespmem:$0x11A60] =	vst v63  }
0xe8: {  	s0 =	simm.s32 @!p0 $0x6  }
0xe9: {  	_ =	swait.ge @!p0 [sflag:s0], $0x1  }
0xea: {  	[sflag:s0] =	ssyncset.done @!p0 $0x0  }
0xeb: {  	[sflag:s0] =	ssyncadd.s32 @!p0 $0xFFFFFFFF  }
0xec: {  	v2 =	vmov @!p0 s4;
	v1 =	vld.msk @!p0 [tilespmem:$0xB0], $0x1;
	_ =	sdelay $0x3  }
0xed: {  	s0 =	simm.s32 @!p0 $0xE0  }
0xee: {  	[tilespmem:v2+s0+$0x0], v1 =	vst.idx.ret.add.f32.msk @!p0 $0x1, v1  }
0xef: {  	[tilespmem:s2+$0xC0] =	vst.msk $0x1, v0  }
0xf0: {  	v0 =	vld.msk [tilespmem:s4+$0xE0], $0x1;
	_ =	sdelay $0x4  }
0xf1: {  	[tilespmem:s2+$0xE0] =	vst.msk $0x1, v0;
	s2 =	sadd.s32 $0x1, s2  }
.LBB2_19:
0xf2: {  	s4 =	sadd.s32 $0x1, s4  }
0xf3: {  	p0 =	sne.s32 s4, $0x20  }
.Ltmp8:
0xf4: {  	_ = 	snop;
	(pc) =	sbr.rel @!p0 .LBB2_20-.Ltmp8, $1  }
0xf5: {  	_ =	sdelay $0x3  }
.LBB2_12:
0xf6: {  	v0 =	vld.msk [tilespmem:s4+$0xC0], $0x1;
	_ =	sdelay $0x4  }
0xf7: {  	(v2sf) =	vpush v0, $0x0;
	_ =	sdelay $0xe  }
0xf8: {  	s5 =	spop (v2sf)  }
0xf9: {  	p0 =	seq.s32 s5, $0xFFFFFFFF  }
.Ltmp9:
0xfa: {  	_ = 	snop;
	(pc) =	sbr.rel @p0 .LBB2_19-.Ltmp9, $1  }
0xfb: {  	_ =	sdelay $0x3  }
0xfc: {  	p0 =	slt.s32 s2, $0x1  }
.Ltmp10:
0xfd: {  	_ = 	snop;
	(pc) =	sbr.rel @p0 .LBB2_17-.Ltmp10, $1  }
0xfe: {  	_ =	sdelay $0x3  }
0xff: {  	s0 =	simm.s32 $0xC0;
	p0 =	por $0x0, $0x0  }
0x100: {  	v1 =	vld.msk @!p0 [tilespmem:s0+$0x0], $0x1;
	_ =	sdelay $0x4  }
0x101: {  	(v2sf) =	vpush @!p0 v1, $0x0;
	_ =	sdelay $0xd  }
0x102: {  	p2 =	sne.s32 s2, $0x1  }
.Ltmp11:
0x103: {  	s6 =	spop @!p0 (v2sf);
	(pc) =	sbr.rel @!p2 .LBB2_16-.Ltmp11, $4  }
0x104: {  	p1 =	seq.s32 @!p0 s5, s6  }
0x105: {  	s6 =	simm.s32 $0x0;
	p1 =	por !p1, p0  }
0x106: {  	s8 =	simm.s32 $0xFFFFFFFF;
	s6 =	simm.s32 @p1 $0xFFFFFFFF  }
0x107: {  	s7 =	simm.s32 $0x1;
	s6 =	smov.u32 @p0 s8  }
.LBB2_15:
0x108: {  	s8 =	smov.u32 s6;
	p0 =	sne.s32 s6, $0xFFFFFFFF  }
0x109: {  	s0 =	sadd.s32 $0x1, s0;
	s6 =	smov.u32 s7;
	s7 =	sadd.s32 $0x1, s7  }
0x10a: {  	p1 =	sne.s32 s2, s7;
	v1 =	vld.msk @!p0 [tilespmem:s0+$0x0], $0x1;
	_ =	sdelay $0x4  }
0x10b: {  	(v2sf) =	vpush @!p0 v1, $0x0;
	_ =	sdelay $0xe  }
.Ltmp12:
0x10c: {  	s9 =	spop @!p0 (v2sf);
	(pc) =	sbr.rel @p1 .LBB2_15-.Ltmp12, $4  }
0x10d: {  	p2 =	seq.s32 @!p0 s5, s9  }
0x10e: {  	p2 =	por !p2, p0  }
0x10f: {  	s6 =	simm.s32 @p2 $0xFFFFFFFF  }
0x110: {  	s6 =	smov.u32 @p0 s8  }
.LBB2_16:
0x111: {  	p0 =	sne.s32 s6, $0xFFFFFFFF  }
.Ltmp13:
0x112: {  	_ = 	snop;
	(pc) =	sbr.rel @!p0 .LBB2_17-.Ltmp13, $1  }
0x113: {  	_ =	sdelay $0x3  }
0x114: {  	v0 =	vld.msk [tilespmem:s4+$0xE0], $0x1;
	v1 =	vmov s6  }
.Ltmp14:
0x115: {  	_ = 	snop;
	(pc) =	sbr.rel .LBB2_19-.Ltmp14, $2  }
0x116: {  	_ =	sdelay $0x2  }
0x117: {  	[tilespmem:v1+s3+$0x0], v0 =	vst.idx.ret.add.f32.msk $0x1, v0  }
.LBB2_20:
0x118: {  	p0 =	slt.s32 s2, $0x1  }
.Ltmp15:
0x119: {  	_ = 	snop;
	(pc) =	sbr.rel @p0 .LBB2_24-.Ltmp15, $3  }
0x11a: {  	_ =	sdelay $0x1  }
0x11b: {  	s0 =	simm.s32 $0x6  }
0x11c: {  	s3 =	simm.s32 $0x0;
	[sflag:s0] =	ssyncpa.u1 $0x1  }
0x11d: {  	s0 =	simm.s32 $0xC0  }
0x11e: {  	v0 =	vld.msk [tilespmem:s0+$0x0], $0x1;
	_ =	sdelay $0x4  }
0x11f: {  	(v2sf) =	vpush v0, $0x0;
	_ =	sdelay $0xe  }
0x120: {  	s2 =	sadd.s32 $0xFFFFFFFF, s2;
	s4 =	spop (v2sf)  }
0x121: {  	p1 =	sne.s32 s2, $0x0;
	p0 =	sgt.u32 s4, $0x27FF  }
.Ltmp16:
0x122: {  	s5 =	sshrl.u32 @!p0 s4, $0x3;
	(pc) =	sbr.rel @!p1 .LBB2_23-.Ltmp16, $4  }
0x123: {  	s0 =	simm.s32 $0xE0;
	s4 =	sand.u32 @!p0 $0x7, s4;
	s5 =	sadd.s32 @!p0 s1, s5  }
0x124: {  	[hbm4b:s5+s4] =	stream.linear.scatter @!p0 [tilespmem:s0], [sflag:$0x5], $0x1, $0x38;
	[tilespmem:$0x11A60] =	vst v63  }
0x125: {  	s5 =	simm.s32 $0x0  }
0x126: {  	s4 =	simm.s32 $0xC1;
	s5 =	simm.s32 @!p0 $0x4  }
.LBB2_22:
0x127: {  	v0 =	vld.msk [tilespmem:s4+$0x0], $0x1;
	s2 =	sadd.s32 $0xFFFFFFFF, s2;
	s3 =	sadd.s32 s3, s5  }
0x128: {  	p0 =	sne.s32 s2, $0x0;
	_ =	sdelay $0x3  }
0x129: {  	(v2sf) =	vpush v0, $0x0;
	_ =	sdelay $0xe  }
.Ltmp17:
0x12a: {  	s6 =	spop (v2sf);
	(pc) =	sbr.rel @p0 .LBB2_22-.Ltmp17, $4  }
0x12b: {  	s5 =	simm.s32 $0x0;
	p1 =	sgt.u32 s6, $0x27FF  }
0x12c: {  	s0 =	sadd.s32 $0x1, s0;
	s5 =	simm.s32 @!p1 $0x4;
	s7 =	sshrl.u32 @!p1 s6, $0x3  }
0x12d: {  	s4 =	sadd.s32 $0x1, s4;
	s6 =	sand.u32 @!p1 $0x7, s6;
	s7 =	sadd.s32 @!p1 s1, s7  }
0x12e: {  	[hbm4b:s7+s6] =	stream.linear.scatter @!p1 [tilespmem:s0], [sflag:$0x5], $0x1, $0x38;
	[tilespmem:$0x11A60] =	vst v63  }
.LBB2_23:
0x12f: {  	s0 =	sadd.s32 s3, s5  }
0x130: {  	s3 =	sshrl.u32 s0, $0x2  }
.LBB2_24:
0x131: {  	s0 =	simm.s32 $0x5  }
0x132: {  	_ =	swait.ge [sflag:s0], s3  }
0x133: {  	s1 =	ssub.s32 $0x0, s3;
	[sflag:s0] =	ssyncset.done $0x0  }
0x134: {  	[sflag:s0] =	ssyncadd.s32 s1  }
0x135: {  	[sflag:s0] =	ssyncpa.u1 $0x1  }
0x136: {  	s29 =	simm.s32 $0x1;
	_ =	sfence  }
0x137: {  	s30 =	simm.s32 $0x2;
	[sflag:s29] =	ssyncpa.u1 $0x1  }
0x138: {  	[sflag:s30] =	ssyncpa.u1 $0x1  }
0x139: {  	_ =	strace $0x90000047  }
0x13a: {  	[bflag:$0x2] =	sbarrier.arrive $0xFFFF  }
0x13b: {  	s31 =	rddreg [dreg:$0x1]  }
0x13c: {  	s0 =	sadd.s32 $0x100000, s31  }
0x13d: {  	[sflag:s0] =	ssyncadd.tile.s32 $0x1;
	_ =	shalt  }
.Lfunc_end2:
_tile_overlayer_lowered:
.L_overlay_start_2:
0x13e: {  	(tag) =	ssettag $0x2  }
0x13f: {  	s0 =	rddreg [dreg:$0x0];
	s2 =	stileid.u32  }
0x140: {  	s1 =	rddreg [dreg:$0x1];
	p0 =	sne.s32 s2, $0x0  }
0x141: {  	s3 =	rddreg [dreg:$0x2];
	[bflag:$0x3] =	sbarrier.arrive $0xFFFF;
	s2 =	simm.s32 @!p0 $0x1C01  }
0x142: {  	[timem:s3], [sflag:s2] =	dma.local @!p0 [hbm:s0], s1  }
0x143: {  	s0 =	simm.s32 @!p0 $0x1  }
0x144: {  	_ =	swait.ge @!p0 [sflag:s0], s1  }
0x145: {  	s1 =	ssub.s32 @!p0 $0x0, s1;
	[sflag:s0] =	ssyncset.done @!p0 $0x0  }
0x146: {  	[sflag:s0] =	ssyncadd.s32 @!p0 s1  }
0x147: {  	[bflag:$0x3] =	sbarrier.arrive $0xFFFF  }
0x148: {  	_ =	shalt  }

// kernel: scatter_offload_async_start.2
scs
__scs_entry_jumppad:
0x0: {  	(pc) =	sbr.rel $0x88, $3  }
0x1: {  	(tag) =	ssettag $0x0;
	lr =	simm.s32 $0x1  }
0x2: {  	[smem:$0x3F90] =	sst lr;
	_ =	strace $0xD0000000  }
0x3: {  	_ = 	snop  }
0x4: {  	_ = 	snop  }
0x5: {  	_ = 	snop  }
0x6: {  	_ = 	snop  }
0x7: {  	_ = 	snop  }
__scs_overlays_trampoline_lowered:
0x8: {  	[smem:$0x3F9F] =	sst s0  }
0x9: {  	[smem:$0x3FA0] =	sst s1  }
0xa: {  	[smem:$0x3FA1] =	sst s2  }
0xb: {  	[smem:$0x3FA2] =	sst s3  }
0xc: {  	[smem:$0x3FA3] =	sst s4  }
0xd: {  	[smem:$0x3FA4] =	sst s5  }
0xe: {  	[smem:$0x3FA5] =	sst s6  }
0xf: {  	[smem:$0x3FA6] =	sst s7  }
0x10: {  	[smem:$0x3FA7] =	sst s8  }
0x11: {  	[smem:$0x3FA8] =	sst s9;
	s0 =	simm.s32 @!p0 $0x0  }
0x12: {  	s1 =	sld [smem:$0x3F8E];
	s0 =	simm.s32 @p0 $0x1  }
0x13: {  	[smem:$0x3FA9] =	sst s0;
	s0 =	simm.s32 @!p1 $0x0  }
0x14: {  	s2 =	sld [smem:$0x3F8D];
	s0 =	simm.s32 @p1 $0x1  }
0x15: {  	[smem:$0x3FAA] =	sst s0;
	s0 =	simm.s32 @!p2 $0x0  }
0x16: {  	s3 =	sld [smem:$0x3FDB];
	s0 =	simm.s32 @p2 $0x1  }
0x17: {  	s4 =	simm.s32 $0x1BF5;
	[smem:$0x3FAC] =	sst s0  }
0x18: {  	s0 =	sld [smem:$0x3F8F];
	_ =	swait.ge [sflag:s4], $0x0  }
0x19: {  	s7 =	sld [smem:$0x3F90]  }
0x1a: {  	s8 =	sadd.s32 $0xFFFFE003, lr  }
0x1b: {  	s9 =	sadd.s32 $0xFFFFFEF7, lr;
	s5 =	simm.s32 $0xFFFFFFFF;
	p2 =	slt.u32 s8, $0xFFFFF086  }
0x1c: {  	p1 =	slt.u32 s9, $0xF7A;
	s5 =	simm.s32 @!p2 $0x0  }
0x1d: {  	s5 =	simm.s32 @p1 $0x1;
	p0 =	seq.s32 s7, s2  }
0x1e: {  	s7 =	smul.u32 @!p0 $0xF7A, s2;
	p2 =	seq.s32 @!p0 s5, $0x0  }
0x1f: {  	s9 =	smul.u32 $0xF7A, s1;
	s8 =	simm.s32 @!p0 $0x1BF5;
	p2 =	por !p2, p0  }
0x20: {  	[sflag:s8] =	ssyncset.s32 @!p0 $0xFFFFF086;
	s6 =	sadd.s32 @!p0 s3, s7;
	s7 =	simm.s32 @!p0 $0x108  }
0x21: {  	s3 =	sadd.s32 s3, s9;
	s6 =	sadd.s32 @!p0 $0x88, s6;
	s7 =	simm.s32 @p2 $0x1082  }
0x22: {  	[simem:s7], [sflag:s8] =	dma.local @!p0 [hbm:s6], $0xF7A  }
0x23: {  	s9 =	sor.u32 $0xD0000000, s2;
	s6 =	simm.s32 $0x108;
	_ =	swait.ge @!p0 [sflag:s8], $0x0  }
0x24: {  	s3 =	sadd.s32 $0x88, s3;
	s6 =	simm.s32 @!p1 $0x1082;
	[sflag:s4] =	ssyncset.s32 $0xFFFFF086  }
0x25: {  	[simem:s6], [sflag:s4] =	dma.local [hbm:s3], $0xF7A  }
0x26: {  	[smem:$0x3F90] =	sst s1;
	(tag) =	ssettag s2;
	_ =	strace s9  }
0x27: {  	s1 =	sld [smem:$0x3FA0]  }
0x28: {  	s2 =	sld [smem:$0x3FA1]  }
0x29: {  	s4 =	sld [smem:$0x3FA3]  }
0x2a: {  	p0 =	seq.s32 s5, $0x0;
	s5 =	sld [smem:$0x3FA4]  }
0x2b: {  	s6 =	sld [smem:$0x3FA5]  }
0x2c: {  	s7 =	sld [smem:$0x3FA6]  }
0x2d: {  	s3 =	simm.s32 $0x108;
	s8 =	sld [smem:$0x3FA7]  }
0x2e: {  	s3 =	simm.s32 @!p0 $0x1082;
	s9 =	sld [smem:$0x3FA8]  }
0x2f: {  	lr =	sadd.s32 s0, s3;
	s0 =	sld [smem:$0x3F9F]  }
0x30: {  	s3 =	sld [smem:$0x3FA2]  }
0x31: {  	[smem:$0x3FAB] =	sst s10  }
0x32: {  	s10 =	sld [smem:$0x3FA9];
	_ =	sdelay $0x3  }
0x33: {  	p0 =	seq.s32 s10, $0x1;
	s10 =	sld [smem:$0x3FAB];
	_ =	sdelay $0x3  }
0x34: {  	[smem:$0x3FAB] =	sst s10  }
0x35: {  	s10 =	sld [smem:$0x3FAA];
	_ =	sdelay $0x3  }
0x36: {  	p1 =	seq.s32 s10, $0x1;
	s10 =	sld [smem:$0x3FAB];
	_ =	sdelay $0x3  }
0x37: {  	[smem:$0x3FAB] =	sst s10  }
0x38: {  	s10 =	sld [smem:$0x3FAC]  }
0x39: {  	_ = 	snop;
	(pc) =	sbr.ind lr, $3  }
0x3a: {  	_ = 	snop  }
0x3b: {  	_ = 	snop  }
0x3c: {  	p2 =	seq.s32 s10, $0x1;
	s10 =	sld [smem:$0x3FAB]  }
0x3d: {  	_ =	shalt  }
0x3e: {  	_ =	shalt  }
0x3f: {  	_ =	shalt  }
0x40: {  	_ =	shalt  }
0x41: {  	_ =	shalt  }
0x42: {  	_ =	shalt  }
0x43: {  	_ =	shalt  }
0x44: {  	_ =	shalt  }
0x45: {  	_ =	shalt  }
0x46: {  	_ =	shalt  }
0x47: {  	_ =	shalt  }
0x48: {  	_ =	shalt  }
0x49: {  	_ =	shalt  }
0x4a: {  	_ =	shalt  }
0x4b: {  	_ =	shalt  }
0x4c: {  	_ =	shalt  }
0x4d: {  	_ =	shalt  }
0x4e: {  	_ =	shalt  }
0x4f: {  	_ =	shalt  }
0x50: {  	_ =	shalt  }
0x51: {  	_ =	shalt  }
0x52: {  	_ =	shalt  }
0x53: {  	_ =	shalt  }
0x54: {  	_ =	shalt  }
0x55: {  	_ =	shalt  }
0x56: {  	_ =	shalt  }
0x57: {  	_ =	shalt  }
0x58: {  	_ =	shalt  }
0x59: {  	_ =	shalt  }
0x5a: {  	_ =	shalt  }
0x5b: {  	_ =	shalt  }
0x5c: {  	_ =	shalt  }
0x5d: {  	_ =	shalt  }
0x5e: {  	_ =	shalt  }
0x5f: {  	_ =	shalt  }
0x60: {  	_ =	shalt  }
0x61: {  	_ =	shalt  }
0x62: {  	_ =	shalt  }
0x63: {  	_ =	shalt  }
0x64: {  	_ =	shalt  }
0x65: {  	_ =	shalt  }
0x66: {  	_ =	shalt  }
0x67: {  	_ =	shalt  }
0x68: {  	_ =	shalt  }
0x69: {  	_ =	shalt  }
0x6a: {  	_ =	shalt  }
0x6b: {  	_ =	shalt  }
0x6c: {  	_ =	shalt  }
0x6d: {  	_ =	shalt  }
0x6e: {  	_ =	shalt  }
0x6f: {  	_ =	shalt  }
0x70: {  	_ =	shalt  }
0x71: {  	_ =	shalt  }
0x72: {  	_ =	shalt  }
0x73: {  	_ =	shalt  }
0x74: {  	_ =	shalt  }
0x75: {  	_ =	shalt  }
0x76: {  	_ =	shalt  }
0x77: {  	_ =	shalt  }
0x78: {  	_ =	shalt  }
0x79: {  	_ =	shalt  }
0x7a: {  	_ =	shalt  }
0x7b: {  	_ =	shalt  }
0x7c: {  	_ =	shalt  }
0x7d: {  	_ =	shalt  }
0x7e: {  	_ =	shalt  }
0x7f: {  	_ =	shalt  }
0x80: {  	_ =	shalt  }
0x81: {  	_ =	shalt  }
0x82: {  	_ =	shalt  }
0x83: {  	_ =	shalt  }
0x84: {  	_ =	shalt  }
0x85: {  	_ =	shalt  }
0x86: {  	_ =	shalt  }
0x87: {  	_ =	shalt  }
.Lfunc_end0:
.L_simem_size_0:
called_computation.2_lowered:
.L_overlay_start_0:
0x88: {  	s2 =	sld [smem:$0x3FD9]  }
0x89: {  	s3 =	sld [smem:$0x3FFE];
	_ =	sdelay $0x1  }
0x8a: {  	s1 =	srdreg.scid  }
0x8b: {  	s0 =	sand.u32 $0x1, s1  }
0x8c: {  	s15 =	sshll.u32 s0, $0xA;
	s2 =	sadd.s32 s3, s2  }
0x8d: {  	s2 =	sadd.s32 s2, s15  }
0x8e: {  	[smem:$0x3FB7] =	sst s2  }
0x8f: {  	_ = 	snop  }
0x90: {  	(tm) =	ssettm $0x1  }
0x91: {  	s16 =	sld [smem:$0x3FFB];
	_ =	sdelay $0x3  }
0x92: {  	_ =	strace s16  }
0x93: {  	s2 =	sld [smem:$0x3FFC];
	_ =	sdelay $0x3  }
0x94: {  	_ =	strace s2  }
0x95: {  	s2 =	sld [smem:$0x3FFD];
	_ =	sdelay $0x3  }
0x96: {  	_ =	strace s2  }
0x97: {  	_ =	strace $0x8FFFFFFF  }
0x98: {  	s17 =	sld [smem:$0x3FDB];
	_ =	sdelay $0x1  }
0x99: {  	s18 =	simm.s32 $_scs_section_size  }
0x9a: {  	s4 =	simm.s32 $_size__tile_overlayer_lowered;
	s5 =	simm.s32 $_tile_overlayer_lowered  }
0x9b: {  	s21 =	simm.s32 $0x1BFF;
	s20 =	sshll.u32 s5, $0x1;
	s2 =	sadd.s32 s18, s17  }
0x9c: {  	s6 =	simm.s32 $0x0;
	s19 =	sshll.u32 s4, $0x1;
	s4 =	sadd.s32 s20, s2  }
0x9d: {  	[timem:s6], [sflag:s21] =	dma.local [hbm:s4], s19  }
0x9e: {  	_ =	swait.ge [sflag:s21], s19  }
0x9f: {  	s3 =	ssub.s32 $0x0, s19;
	[sflag:s21] =	ssyncset.done $0x0  }
0xa0: {  	[sflag:s21] =	ssyncadd.s32 s3;
	_ =	sdelay $0x1  }
0xa1: {  	s22 =	simm.s32 $0x1B8B  }
0xa2: {  	_ =	swait.ge [sflag:s22], $0x1  }
0xa3: {  	[sflag:s22] =	ssyncset.done $0x0  }
0xa4: {  	s23 =	sld [smem:$0x3FFE];
	[sflag:s22] =	ssyncadd.s32 $0xFFFFFFFF  }
0xa5: {  	s25 =	simm.s32 $0x1B8E;
	s24 =	sld [smem:$0x0]  }
0xa6: {  	s26 =	simm.s32 $execute0_lowered;
	[smem:$0x3FD2] =	sst s25  }
0xa7: {  	s5 =	sshll.u32 s26, $0x1;
	_ =	strace $0x8000004C;
	[dreg:$0x1] =	wrdreg $0xFFFFFFFF  }
0xa8: {  	s28 =	simm.s32 $_size_execute0_lowered;
	s2 =	sadd.s32 s2, s5;
	[dreg:$0x0] =	wrdreg $0x0  }
0xa9: {  	s5 =	sshll.u32 s28, $0x1;
	[dreg:$0x2] =	wrdreg s2  }
0xaa: {  	[dreg:$0x3] =	wrdreg s5  }
0xab: {  	[dreg:$0x4] =	wrdreg $0xC0  }
0xac: {  	_ =	task [dreg:s6], $0x5FFFF  }
0xad: {  	[dreg:$0x1] =	wrdreg $0xFFFFFFFF  }
0xae: {  	[dreg:$0x0] =	wrdreg $0x60  }
0xaf: {  	[dreg:$0x2] =	wrdreg s23  }
0xb0: {  	[dreg:$0x3] =	wrdreg s1  }
0xb1: {  	[dreg:$0x4] =	wrdreg s24  }
0xb2: {  	[dreg:$0x5] =	wrdreg $0x9  }
0xb3: {  	_ =	task.clear_ibuf [dreg:s6], $0x6FFFF;
	_ =	strace $0x9000004C  }
0xb4: {  	s29 =	simm.s32 $0x9;
	_ =	strace $0x8000004E  }
0xb5: {  	_ =	swait.ge [sflag:s29], $0x1  }
0xb6: {  	[sflag:s29] =	ssyncadd.s32 $0xFFFFFFFF  }
0xb7: {  	_ =	strace $0x9000004E  }
0xb8: {  	_ =	sfence  }
0xb9: {  	s30 =	sld [smem:$0x0];
	_ =	sdelay $0x2  }
0xba: {  	s31 =	sshll.u32 s1, $0xD;
	s1 =	sshrl.u32 s1, $0x2  }
0xbb: {  	s3 =	sand.u32 $0x4000, s31;
	s1 =	sadd.s32 s1, s30  }
0xbc: {  	s0 =	sor.u32 s3, s0;
	s1 =	sshll.u32 s1, $0x11  }
0xbd: {  	s0 =	sor.u32 s1, s0  }
0xbe: {  	s0 =	sadd.s32 $0x8F2B, s0  }
0xbf: {  	[sflag:s0] =	ssyncadd.remote.s32 $0x1  }
0xc0: {  	_ =	sfence.sel $0xFFFF  }
0xc1: {  	[dreg:$0x0] =	wrdreg $0xFFFFFFFF;
	(pc) =	sbr.abs _section_cstart, $3  }
0xc2: {  	[dreg:$0x1] =	wrdreg $0xFFFFFFFF  }
0xc3: {  	_ =	task.clear_ibuf [dreg:s6], $0x2FFFF;
	_ =	strace $0x9FFFFFFF  }
0xc4: {  	(tm) =	ssettm $0x7FFFFFFF  }
0xc5: {  	_ =	shalt  }
tec
execute0_lowered:
.L_overlay_start_1:
0x0: {  	(tag) =	ssettag $0x1  }
0x1: {  	s2 =	rddreg [dreg:$0x0]  }
0x2: {  	s3 =	rddreg [dreg:$0x1];
	_ =	strace $0x8000004D;
	s0 =	simm.s32 $0x1  }
0x3: {  	s4 =	simm.s32 $0x208;
	v0 =	vimm.s32 $0x0;
	[sflag:s0] =	ssyncpa.u1 $0x0  }
0x4: {  	[tilespmem:s4+$0x70] =	vst v0  }
0x5: {  	[tilespmem:s4+$0x60] =	vst v0  }
0x6: {  	[tilespmem:s4+$0x50] =	vst v0  }
0x7: {  	[tilespmem:s4+$0x40] =	vst v0  }
0x8: {  	[tilespmem:s4+$0x30] =	vst v0  }
0x9: {  	s1 =	sadd.s32 $0x1A00, s2;
	s0 =	sadd.s32 $0x3CA00, s2;
	s7 =	sadd.s32 $0x3D600, s2;
	[tilespmem:s4+$0x20] =	vst v0  }
0xa: {  	s2 =	sadd.s32 $0x3D000, s2;
	s10 =	sand.u32 $0x1, s3;
	s3 =	simm.s32 $0x40;
	[tilespmem:s4+$0x10] =	vst v0  }
.LBB2_1:
0xb: {  	s3 =	sadd.s32 $0x40, s3;
	[tilespmem:s4+$0x0] =	vst v0;
	s4 =	sadd.s32 $0x80, s4  }
0xc: {  	p0 =	slt.u32 s3, $0x3880;
	[tilespmem:s4+$0x70] =	vst v0  }
0xd: {  	[tilespmem:s4+$0x60] =	vst v0  }
.Ltmp0:
0xe: {  	[tilespmem:s4+$0x50] =	vst v0;
	(pc) =	sbr.rel @p0 .LBB2_1-.Ltmp0, $4  }
0xf: {  	[tilespmem:s4+$0x40] =	vst v0  }
0x10: {  	[tilespmem:s4+$0x30] =	vst v0  }
0x11: {  	[tilespmem:s4+$0x20] =	vst v0  }
0x12: {  	[tilespmem:s4+$0x10] =	vst v0  }
0x13: {  	s11 =	stileid.u32  }
0x14: {  	s5 =	sshll.u32 s11, $0x1;
	s3 =	smin.u32 s11, $0xE  }
0x15: {  	s3 =	sadd.s32 s3, s5  }
0x16: {  	p0 =	slt.u32 s11, $0xE;
	s21 =	smul.u32 $0x70, s3;
	s3 =	simm.s32 $0x150  }
0x17: {  	s3 =	simm.s32 @!p0 $0xE0  }
0x18: {  	s3 =	sadd.s32 s3, s21  }
0x19: {  	s9 =	smin.u32 s3, $0x1400  }
0x1a: {  	s3 =	ssub.s32 s9, s21  }
0x1b: {  	p0 =	sgt.s32 s3, $0x0  }
0x1c: {  	s26 =	simm.s32 $0x2;
	s6 =	simm.s32 $0x9;
	s3 =	simm.s32 @!p0 $0x0  }
0x1d: {  	s29 =	simm.s32 $0xA;
	s30 =	simm.s32 $0xB;
	s25 =	sand.u32 $0xFFF0, s3  }
0x1e: {  	s31 =	smul.u32 $0x280, s10;
	[dreg:$0x5] =	wrdreg s5;
	s5 =	sshrl.u32 s25, $0x4  }
0x1f: {  	[dreg:$0x4] =	wrdreg s10;
	s13 =	simm.s32 $0x1;
	s5 =	smul.u32 $0x2493, s5  }
0x20: {  	p1 =	por $0x0, $0x0;
	s19 =	simm.s32 $0x80;
	s20 =	simm.s32 $0x400  }
0x21: {  	s18 =	simm.s32 $0xC;
	s22 =	simm.s32 $0x0;
	s28 =	sshrl.u32 s5, $0x10  }
0x22: {  	[tilespmem:s4+$0x0] =	vst v0;
	v0 =	vimm.s32 $0xFFFFFFFF;
	s24 =	simm.s32 $0x0;
	[sflag:s26] =	ssyncpa.u1 $0x0;
	s5 =	smul.u32 $0x70, s28  }
.Ltmp1:
0x23: {  	s17 =	sshll.u32 s11, $0x9;
	[tilespmem:$0xE408] =	vst v0;
	[sflag:s6] =	ssyncpa.u1 $0x0;
	(pc) =	sbr.rel .LBB2_3-.Ltmp1, $4  }
0x24: {  	s12 =	sadd.s32 s31, s2;
	p0 =	sne.s32 s3, s5;
	s3 =	simm.s32 $0x1  }
0x25: {  	s15 =	sadd.s32 s31, s0;
	[sflag:s29] =	ssyncpa.u1 $0x0;
	s3 =	simm.s32 @!p0 $0x0  }
0x26: {  	[sflag:s30] =	ssyncpa.u1 $0x0;
	s23 =	smov.u32 s21;
	s14 =	sadd.s32 s28, s3  }
0x27: {  	v0 =	vlaneseq.u32;
	s25 =	simm.s32 $0x0;
	p0 =	por $0x1, $0x1;
	s16 =	sadd.s32 $0x1, s14  }
.LBB2_24:
0x28: {  	s2 =	sshrl.u32 s5, $0x2  }
.LBB2_26:
0x29: {  	_ =	swait.ge [sflag:s18], s2  }
0x2a: {  	s31 =	ssub.s32 $0x0, s2;
	v1 =	vmov s0;
	vm0 =	veq.s32 v0, $0x0;
	[sflag:s18] =	ssyncset.done $0x0  }
0x2b: {  	vm15 =	veq.s32 v0, $0x2;
	v1 =	vsel vm0, s4, v1;
	[sflag:s18] =	ssyncadd.s32 s31  }
0x2c: {  	v1 =	vsel vm15, s25, v1;
	[sflag:s18] =	ssyncpa.u1 $0x1  }
0x2d: {  	[tilespmem:$0xE408] =	vst v1  }
.LBB2_27:
0x2e: {  	s0 =	sadd.s32 $0x70, s23  }
0x2f: {  	s2 =	smov.u32 s21;
	p2 =	slt.s32 s0, s9  }
0x30: {  	s2 =	smov.u32 @p2 s0;
	p2 =	sne.s32 s24, s16  }
.Ltmp2:
0x31: {  	_ = 	snop;
	(pc) =	sbr.rel @!p2 .LBB2_28-.Ltmp2, $4  }
0x32: {  	_ = 	snop  }
0x33: {  	s25 =	smov.u32 s22  }
0x34: {  	s31 =	sadd.s32 $0x1, s24;
	s22 =	smov.u32 s23;
	p0 =	por !p0, !p0  }
0x35: {  	p1 =	por !p1, !p1;
	s24 =	smov.u32 s31;
	s23 =	smov.u32 s2  }
.LBB2_3:
0x36: {  	p2 =	sge.u32 s24, s14  }
0x37: {  	s0 =	smulhi.u32 @!p2 $0xAAAAAAAB, s24  }
0x38: {  	s2 =	smov.u32 s23;
	p3 =	sgt.s32 @!p2 s23, $0x1390  }
0x39: {  	s3 =	sshra.s32 @!p2 s23, $0x1F;
	p3 =	por !p3, p2;
	s0 =	sshrl.u32 @!p2 s0, $0x1  }
0x3a: {  	s3 =	sand.u32 @!p2 s3, s23;
	s2 =	simm.s32 @p3 $0x1390;
	s0 =	smul.u32 @!p2 $0x3, s0  }
0x3b: {  	s2 =	ssub.s32 @!p2 s2, s3  }
0x3c: {  	s2 =	sadd.s32 @!p2 $0xFFFFEC70, s2;
	s0 =	ssub.s32 @!p2 s24, s0  }
0x3d: {  	s3 =	sshll.u32 @!p2 s2, $0x2;
	p3 =	sgt.s32 @!p2 s2, $0x6F;
	s0 =	smul.u32 @!p2 $0x1C0, s0  }
0x3e: {  	s4 =	sand.u32 @!p2 $0x7, s23;
	s2 =	ssub.s32 @!p2 $0x1C0, s3;
	p3 =	por !p3, p2  }
0x3f: {  	s3 =	sshrl.u32 @!p2 s23, $0x3;
	s2 =	sshrl.u32 @!p2 s2, $0x2;
	s0 =	sshrl.u32 @!p2 s0, $0x2  }
0x40: {  	s3 =	sadd.s32 @!p2 s3, s12;
	s2 =	simm.s32 @!p3 $0x0;
	s0 =	sadd.s32 @!p2 $0x10448, s0  }
0x41: {  	[tilespmem:s0], [sflag:$0xA] =	stream.linear.gather @!p2 [hbm4b:s3+s4], s2, $0x38;
	[tilespmem:$0x1E678] =	vst v63  }
0x42: {  	s2 =	sadd.s32 $0xFFFFFFFF, s24  }
0x43: {  	p2 =	sge.u32 s2, s14  }
0x44: {  	p3 =	sgt.s32 @!p2 s22, $0x1390  }
0x45: {  	s0 =	smov.u32 s22;
	s3 =	sshra.s32 @!p2 s22, $0x1F;
	p3 =	por !p3, p2  }
0x46: {  	s3 =	sand.u32 @!p2 s3, s22;
	s0 =	simm.s32 @p3 $0x1390  }
0x47: {  	s0 =	ssub.s32 @!p2 s0, s3  }
0x48: {  	s0 =	sadd.s32 @!p2 $0xFFFFEC70, s0  }
0x49: {  	s3 =	sshll.u32 @!p2 s0, $0x2  }
0x4a: {  	p3 =	sgt.s32 @!p2 s0, $0x6F;
	s0 =	ssub.s32 @!p2 $0x1C0, s3  }
0x4b: {  	p3 =	por !p3, p2;
	s0 =	sshrl.u32 @!p2 s0, $0x2  }
0x4c: {  	s4 =	simm.s32 @!p2 $0xA;
	s3 =	sand.u32 @!p2 $0x1, s2;
	s0 =	simm.s32 @!p3 $0x0  }
0x4d: {  	s3 =	smul.u32 @!p2 $0x1C0, s3;
	_ =	swait.ge @!p2 [sflag:s4], s0  }
0x4e: {  	s5 =	ssub.s32 @!p2 $0x0, s0;
	[sflag:s4] =	ssyncset.done @!p2 $0x0  }
0x4f: {  	s3 =	sshrl.u32 @!p2 s3, $0x2;
	[sflag:s4] =	ssyncadd.s32 @!p2 s5;
	s4 =	sshrl.u32 @!p2 s22, $0x3  }
0x50: {  	s3 =	sadd.s32 @!p2 $0x10598, s3;
	s5 =	sand.u32 @!p2 $0x7, s22;
	s4 =	sadd.s32 @!p2 s4, s15  }
0x51: {  	[tilespmem:s3], [sflag:$0xB] =	stream.linear.gather @!p2 [hbm4b:s4+s5], s0, $0x38;
	[tilespmem:$0x1E678] =	vst v63  }
0x52: {  	s0 =	ssub.s32 @!p2 $0x1400, s22  }
0x53: {  	p3 =	slt.s32 @!p2 s0, $0x1  }
0x54: {  	p3 =	por p2, p3  }
.Ltmp3:
0x55: {  	_ = 	snop;
	(pc) =	sbr.rel @p3 .LBB2_9-.Ltmp3, $1  }
0x56: {  	_ =	sdelay $0x3  }
0x57: {  	s3 =	smulhi.u32 $0xAAAAAAAB, s2;
	_ =	sdelay $0x1  }
0x58: {  	s3 =	sshrl.u32 s3, $0x1  }
0x59: {  	s3 =	smul.u32 $0x3, s3;
	_ =	sdelay $0x1  }
0x5a: {  	s29 =	ssub.s32 s2, s3  }
0x5b: {  	s4 =	simm.s32 $0x1;
	s2 =	smul.u32 $0x1C0, s29  }
.Ltmp4:
0x5c: {  	s4 =	simm.s32 @!p0 $0x0;
	(pc) =	sbr.rel .LBB2_6-.Ltmp4, $4  }
0x5d: {  	s30 =	smul.u32 $0x1C000, s4  }
0x5e: {  	p3 =	slt.s32 @!p2 s0, $0x70;
	s2 =	sshrl.u32 s2, $0x2  }
0x5f: {  	p2 =	por !p3, p2;
	s3 =	sshrl.u32 s30, $0x2;
	s31 =	sadd.s32 $0x10448, s2  }
0x60: {  	s0 =	simm.s32 @p2 $0x70;
	s2 =	sor.u32 $0x10678, s3;
	s3 =	simm.s32 $0x0;
	v1 =	vmov s31  }
.LBB2_5:
0x61: {  	p2 =	sge.s32 s3, s0  }
.Ltmp5:
0x62: {  	_ = 	snop;
	(pc) =	sbr.rel @p2 .LBB2_9-.Ltmp5, $2  }
0x63: {  	_ =	sdelay $0x2  }
0x64: {  	s2 =	sadd.s32 $0x1000, s2  }
.LBB2_6:
0x65: {  	p2 =	sle.s32 s0, s3  }
.Ltmp6:
0x66: {  	_ = 	snop;
	(pc) =	sbr.rel @p2 .LBB2_5-.Ltmp6, $2  }
0x67: {  	_ =	sdelay $0x2  }
0x68: {  	s4 =	smov.u32 s3;
	s3 =	sadd.s32 $0x10, s3  }
0x69: {  	s5 =	ssub.s32 s0, s4  }
0x6a: {  	p2 =	slt.s32 s5, $0x10  }
0x6b: {  	s5 =	simm.s32 @!p2 $0x10  }
0x6c: {  	v2 =	vmov s5  }
0x6d: {  	vm0 =	vgt.s32 v2, v0;
	_ =	sdelay $0x5  }
0x6e: {  	v2 =	vld.idx.msk [tilespmem:v1+s4+$0x0 ss:$0x1], vm0;
	_ =	sdelay $0x2  }
0x6f: {  	p2 =	slt.s32 s3, s0;
	s5 =	smov.u32 s0  }
0x70: {  	s6 =	smov.u32 s2;
	s10 =	simm.s32 $0x0;
	s5 =	smov.u32 @p2 s3  }
.LBB2_8:
0x71: {  	(v2sf) =	vpush v2, s10;
	_ =	sdelay $0xe  }
0x72: {  	s10 =	sadd.s32 $0x1, s10;
	s11 =	spop (v2sf)  }
0x73: {  	s31 =	sadd.s32 s10, s4;
	s26 =	sshll.u32 s11, $0x8;
	s11 =	sshll.u32 s11, $0x7  }
0x74: {  	p2 =	slt.s32 s31, s5;
	s26 =	sand.u32 $0xFFFFF800, s26;
	s11 =	sand.u32 $0x380, s11  }
.Ltmp7:
0x75: {  	s11 =	sor.u32 s11, s26;
	(pc) =	sbr.rel @p2 .LBB2_8-.Ltmp7, $4  }
0x76: {  	s11 =	sshrl.u32 s11, $0x3  }
0x77: {  	s11 =	sadd.s32 s7, s11  }
0x78: {  	[tilespmem:s6], [sflag:$0x9] =	stream.strided.gather [hbm4b:s11+s19], $0x100, s20, s19, $0x38;
	[tilespmem:$0x1E678] =	vst v63  }
0x79: {  	s6 =	sadd.s32 $0x100, s6  }
.Ltmp8:
0x7a: {  	_ = 	snop;
	(pc) =	sbr.rel .LBB2_5-.Ltmp8, $1  }
0x7b: {  	_ =	sdelay $0x3  }
.LBB2_9:
0x7c: {  	p2 =	slt.u32 s24, $0x2  }
.Ltmp9:
0x7d: {  	_ = 	snop;
	(pc) =	sbr.rel @p2 .LBB2_27-.Ltmp9, $1  }
0x7e: {  	_ =	sdelay $0x3  }
0x7f: {  	p2 =	sgt.s32 s25, $0x1390  }
0x80: {  	s0 =	smov.u32 s25;
	s2 =	sshra.s32 s25, $0x1F;
	s3 =	ssub.s32 $0x1400, s25  }
0x81: {  	s0 =	simm.s32 @!p2 $0x1390;
	s2 =	sand.u32 s2, s25;
	p2 =	slt.s32 s3, $0x70  }
0x82: {  	s0 =	ssub.s32 s0, s2;
	s3 =	simm.s32 @!p2 $0x70  }
0x83: {  	s0 =	sadd.s32 $0xFFFFEC70, s0;
	s10 =	sshll.u32 s3, $0x8  }
0x84: {  	s28 =	simm.s32 $0x9;
	s11 =	sshll.u32 s0, $0x2;
	s2 =	sand.u32 $0x3FFFFF00, s10  }
0x85: {  	p2 =	sgt.s32 s0, $0x6F;
	s26 =	ssub.s32 $0x1C0, s11;
	_ =	swait.ge [sflag:s28], s2  }
0x86: {  	s2 =	ssub.s32 $0x0, s2;
	[sflag:s28] =	ssyncset.done $0x0;
	s0 =	sshrl.u32 s26, $0x2  }
0x87: {  	s30 =	simm.s32 $0xB;
	[sflag:s28] =	ssyncadd.s32 s2;
	s0 =	simm.s32 @p2 $0x0  }
0x88: {  	_ =	swait.ge [sflag:s30], s0  }
0x89: {  	s0 =	ssub.s32 $0x0, s0;
	[sflag:s30] =	ssyncset.done $0x0  }
0x8a: {  	[sflag:s30] =	ssyncadd.s32 s0  }
0x8b: {  	v1 =	vld [tilespmem:$0xE408];
	_ =	sdelay $0x4  }
0x8c: {  	(v2sf) =	vpush v1, $0x0  }
0x8d: {  	(v2sf) =	vpush v1, $0x1  }
0x8e: {  	(v2sf) =	vpush v1, $0x2;
	_ =	sdelay $0x3  }
0x8f: {  	s0 =	sadd.s32 $0x70, s25  }
0x90: {  	s3 =	ssub.s32 $0x2800, s25;
	p2 =	slt.s32 s9, s0  }
0x91: {  	s0 =	smov.u32 @p2 s9;
	p2 =	sgt.s32 s3, $0x0  }
0x92: {  	s4 =	ssub.s32 s0, s25;
	s3 =	simm.s32 @!p2 $0x0  }
0x93: {  	p2 =	slt.s32 s3, s4  }
0x94: {  	s4 =	smov.u32 @p2 s3  }
0x95: {  	s2 =	simm.s32 $0x1;
	p2 =	slt.s32 s4, $0x1  }
.Ltmp10:
0x96: {  	s2 =	simm.s32 @!p1 $0x0;
	(pc) =	sbr.rel @p2 .LBB2_14-.Ltmp10, $4  }
0x97: {  	s31 =	smul.u32 $0x1C0, s2  }
0x98: {  	s5 =	spop (v2sf)  }
0x99: {  	s0 =	sshrl.u32 s31, $0x2;
	s29 =	spop (v2sf)  }
0x9a: {  	s26 =	sadd.s32 $0x10598, s0;
	s25 =	spop (v2sf)  }
0x9b: {  	s0 =	smin.u32 s4, $0x10  }
0x9c: {  	v1 =	vmov s0  }
0x9d: {  	vm1 =	vgt.u32 v1, v0  }
0x9e: {  	p3 =	sgt.s32 s4, $0x10  }
.Ltmp11:
0x9f: {  	_ = 	snop;
	(pc) =	sbr.rel @!p3 .LBB2_13-.Ltmp11, $2  }
0xa0: {  	_ =	sdelay $0x2  }
0xa1: {  	s3 =	simm.s32 $0x10;
	s28 =	sadd.s32 $0xFFFFFFF0, s4;
	s0 =	smov.u32 s26;
	vm0 =	vmmov vm1;
	v1 =	vld.msk [tilespmem:s26+$0x0 ss:$0x1], vm1  }
.LBB2_12:
0xa2: {  	s6 =	smin.u32 s28, $0x10;
	s3 =	sadd.s32 $0x10, s3  }
0xa3: {  	v2 =	vmov s6;
	p3 =	slt.s32 s3, s4  }
0xa4: {  	vm1 =	vgt.u32 v2, v0;
	_ =	sdelay $0x1  }
0xa5: {  	v2 =	vshll.u32 v1, $0x5;
	v1 =	vshll.u32 v1, $0x4  }
.Ltmp12:
0xa6: {  	v2 =	vand.u32 $0xFFFFFF00, v2;
	v1 =	vand.u32 $0x70, v1;
	(pc) =	sbr.rel @p3 .LBB2_12-.Ltmp12, $4  }
0xa7: {  	v1 =	vor.u32 v1, v2  }
0xa8: {  	[tilespmem:s0+$0x0] =	vst.msk vm0, v1;
	s0 =	sadd.s32 $0x10, s0;
	vm0 =	vmmov vm1  }
0xa9: {  	v1 =	vld.msk [tilespmem:s0+$0x0 ss:$0x1], vm1  }
0xaa: {  	s28 =	sadd.s32 $0xFFFFFFF0, s28  }
.LBB2_13:
0xab: {  	_ =	sdelay $0x3  }
0xac: {  	v2 =	vshll.u32 v1, $0x5;
	v1 =	vshll.u32 v1, $0x4  }
0xad: {  	v2 =	vand.u32 $0xFFFFFF00, v2;
	v1 =	vand.u32 $0x70, v1  }
0xae: {  	v1 =	vor.u32 v1, v2  }
0xaf: {  	[tilespmem:s0+$0x0] =	vst.msk vm0, v1  }
.LBB2_14:
0xb0: {  	s0 =	sand.u32 $0x1, s24  }
0xb1: {  	s0 =	smul.u32 $0x70, s0  }
0xb2: {  	p3 =	sne.s32 s29, $0xFFFFFFFF  }
0xb3: {  	v1 =	vld.msk @!p3 [tilespmem:s0+$0x10598], $0x1;
	_ =	sdelay $0x4  }
0xb4: {  	(v2sf) =	vpush @!p3 v1, $0x0;
	_ =	sdelay $0xc  }
.Ltmp13:
0xb5: {  	_ = 	snop;
	(pc) =	sbr.rel @p2 .LBB2_25-.Ltmp13, $4  }
0xb6: {  	_ = 	snop  }
0xb7: {  	s28 =	spop @!p3 (v2sf)  }
0xb8: {  	s25 =	simm.s32 @!p3 $0x0;
	s0 =	smov.u32 s28  }
0xb9: {  	[sflag:s18] =	ssyncpa.u1 $0x0;
	s28 =	smov.u32 @p3 s5;
	s0 =	smov.u32 @p3 s29  }
0xba: {  	v1 =	vld.msk [tilespmem:s26+$0x0], $0x1;
	_ =	sdelay $0x4  }
0xbb: {  	(v2sf) =	vpush v1, $0x0;
	_ =	sdelay $0xd  }
0xbc: {  	s8 =	smov.u32 s16;
	s18 =	smov.u32 s15  }
0xbd: {  	s16 =	smov.u32 s12;
	s2 =	smul.u32 $0x1C000, s2;
	s5 =	spop (v2sf)  }
0xbe: {  	s3 =	smov.u32 s28;
	s30 =	ssub.s32 $0x0, s4;
	p2 =	seq.s32 s28, s5  }
0xbf: {  	s31 =	simm.s32 $0x0;
	s2 =	sshrl.u32 s2, $0x2;
	p3 =	sgt.s32 @!p2 s28, $0x0  }
0xc0: {  	s29 =	sor.u32 $0x106F8, s2;
	s2 =	sadd.s32 $0x1, s30;
	p3 =	por !p3, p2  }
0xc1: {  	s6 =	simm.s32 @!p2 $0x7308;
	s3 =	simm.s32 @p3 $0x0;
	p3 =	seq.s32 s2, $0x0  }
.Ltmp14:
0xc2: {  	s4 =	smin.u32 @!p2 s3, $0x27F70;
	s3 =	simm.s32 @!p2 $0x1;
	(pc) =	sbr.rel @p3 .LBB2_17-.Ltmp14, $4  }
0xc3: {  	s10 =	sand.u32 @!p2 $0x3FFF8, s4;
	s11 =	sadd.s32 @!p2 $0x80, s4;
	s3 =	smov.u32 @p2 s31  }
0xc4: {  	s12 =	sadd.s32 @!p2 s1, s10;
	s10 =	sand.u32 @!p2 $0x7, s4;
	s4 =	sand.u32 @!p2 $0x7FFF8, s11  }
0xc5: {  	[tilespmem:s6], [sflag:$0x2] =	stream.linear.gather @!p2 [hbm4b:s12+s10], $0x80, $0x38;
	[tilespmem:$0x1E678] =	vst v63  }
0xc6: {  	s6 =	simm.s32 @!p2 $0x7388;
	s11 =	sadd.s32 @!p2 s1, s4;
	s4 =	sadd.s32 $0x1, s26  }
.LBB2_16:
0xc7: {  	s12 =	smov.u32 s3  }
0xc8: {  	[tilespmem:s6], [sflag:$0x2] =	stream.linear.gather @!p2 [hbm4b:s11+s10], $0x80, $0x38;
	[tilespmem:$0x1E678] =	vst v63  }
0xc9: {  	s2 =	sadd.s32 $0x1, s2;
	s10 =	smov.u32 s5;
	v1 =	vld.msk [tilespmem:s4+$0x0], $0x1  }
0xca: {  	p3 =	seq.s32 s2, $0x0;
	_ =	sdelay $0x3  }
0xcb: {  	(v2sf) =	vpush v1, $0x0;
	_ =	sdelay $0xe  }
0xcc: {  	s5 =	spop (v2sf)  }
0xcd: {  	p2 =	seq.s32 s10, s5  }
0xce: {  	p4 =	sgt.s32 @!p2 s10, $0x0;
	s6 =	sshll.u32 @!p2 s3, $0xA;
	s3 =	sadd.s32 @!p2 $0x1, s3  }
0xcf: {  	p4 =	por !p4, p2;
	s6 =	sshra.s32 @!p2 s6, $0x2;
	s3 =	smov.u32 @p2 s12  }
0xd0: {  	s10 =	simm.s32 @p4 $0x0;
	s11 =	sadd.s32 @!p2 $0x7308, s6;
	s6 =	sadd.s32 @!p2 $0x7388, s6  }
.Ltmp15:
0xd1: {  	s10 =	smin.u32 @!p2 s10, $0x27F70;
	(pc) =	sbr.rel @!p3 .LBB2_16-.Ltmp15, $4  }
0xd2: {  	s12 =	sand.u32 @!p2 $0x3FFF8, s10;
	s15 =	sadd.s32 @!p2 $0x80, s10  }
0xd3: {  	s10 =	sand.u32 @!p2 $0x7, s10;
	s12 =	sadd.s32 @!p2 s1, s12;
	s15 =	sand.u32 @!p2 $0x7FFF8, s15  }
0xd4: {  	[tilespmem:s11], [sflag:$0x2] =	stream.linear.gather @!p2 [hbm4b:s12+s10], $0x80, $0x38;
	[tilespmem:$0x1E678] =	vst v63  }
0xd5: {  	s4 =	sadd.s32 $0x1, s4;
	s11 =	sadd.s32 @!p2 s1, s15  }
.LBB2_17:
0xd6: {  	[tilespmem:s6], [sflag:$0x2] =	stream.linear.gather @!p2 [hbm4b:s11+s10], $0x80, $0x38;
	[tilespmem:$0x1E678] =	vst v63  }
.Ltmp16:
0xd7: {  	s2 =	sshll.u32 s3, $0x8;
	(pc) =	sbr.rel .LBB2_18-.Ltmp16, $4  }
0xd8: {  	s15 =	simm.s32 $0x2;
	s2 =	sand.u32 $0x3FFFFF00, s2  }
0xd9: {  	s5 =	simm.s32 $0x0;
	s12 =	smov.u32 s16;
	_ =	swait.ge [sflag:s15], s2  }
0xda: {  	s16 =	smov.u32 s8;
	s2 =	ssub.s32 $0x0, s2;
	[sflag:s15] =	ssyncset.done $0x0  }
0xdb: {  	[sflag:s15] =	ssyncadd.s32 s2;
	s15 =	smov.u32 s18;
	s18 =	simm.s32 $0xC  }
.LBB2_19:
0xdc: {  	v1 =	vld [tilespmem:s29+$0xFFFFFF80];
	_ =	sdelay $0x4  }
0xdd: {  	[tilespmem:s2+$0x208] =	vst.add.f32.msk $0xffff, v1  }
0xde: {  	v1 =	vld [tilespmem:s29+$0xFFFFFF90];
	_ =	sdelay $0x4  }
0xdf: {  	[tilespmem:s2+$0x218] =	vst.add.f32.msk $0xffff, v1  }
0xe0: {  	v1 =	vld [tilespmem:s29+$0xFFFFFFA0];
	_ =	sdelay $0x4  }
0xe1: {  	[tilespmem:s2+$0x228] =	vst.add.f32.msk $0xffff, v1  }
0xe2: {  	v1 =	vld [tilespmem:s29+$0xFFFFFFB0];
	_ =	sdelay $0x4  }
0xe3: {  	[tilespmem:s2+$0x238] =	vst.add.f32.msk $0xffff, v1  }
0xe4: {  	v1 =	vld [tilespmem:s29+$0xFFFFFFC0];
	_ =	sdelay $0x4  }
0xe5: {  	[tilespmem:s2+$0x248] =	vst.add.f32.msk $0xffff, v1  }
0xe6: {  	v1 =	vld [tilespmem:s29+$0xFFFFFFD0];
	_ =	sdelay $0x4  }
0xe7: {  	[tilespmem:s2+$0x258] =	vst.add.f32.msk $0xffff, v1  }
0xe8: {  	v1 =	vld [tilespmem:s29+$0xFFFFFFE0];
	_ =	sdelay $0x4  }
0xe9: {  	[tilespmem:s2+$0x268] =	vst.add.f32.msk $0xffff, v1  }
0xea: {  	v1 =	vld [tilespmem:s29+$0xFFFFFFF0];
	_ =	sdelay $0x4  }
0xeb: {  	[tilespmem:s2+$0x278] =	vst.add.f32.msk $0xffff, v1  }
0xec: {  	v1 =	vld [tilespmem:s29+$0x0];
	_ =	sdelay $0x4  }
0xed: {  	[tilespmem:s2+$0x288] =	vst.add.f32.msk $0xffff, v1  }
0xee: {  	v1 =	vld [tilespmem:s29+$0x10];
	_ =	sdelay $0x4  }
0xef: {  	[tilespmem:s2+$0x298] =	vst.add.f32.msk $0xffff, v1  }
0xf0: {  	v1 =	vld [tilespmem:s29+$0x20];
	_ =	sdelay $0x4  }
0xf1: {  	[tilespmem:s2+$0x2A8] =	vst.add.f32.msk $0xffff, v1  }
0xf2: {  	v1 =	vld [tilespmem:s29+$0x30];
	_ =	sdelay $0x4  }
0xf3: {  	[tilespmem:s2+$0x2B8] =	vst.add.f32.msk $0xffff, v1  }
0xf4: {  	v1 =	vld [tilespmem:s29+$0x40];
	_ =	sdelay $0x4  }
0xf5: {  	[tilespmem:s2+$0x2C8] =	vst.add.f32.msk $0xffff, v1  }
0xf6: {  	v1 =	vld [tilespmem:s29+$0x50];
	_ =	sdelay $0x4  }
0xf7: {  	[tilespmem:s2+$0x2D8] =	vst.add.f32.msk $0xffff, v1  }
0xf8: {  	v1 =	vld [tilespmem:s29+$0x60];
	_ =	sdelay $0x4  }
0xf9: {  	[tilespmem:s2+$0x2E8] =	vst.add.f32.msk $0xffff, v1  }
0xfa: {  	v1 =	vld [tilespmem:s29+$0x70];
	_ =	sdelay $0x4  }
0xfb: {  	[tilespmem:s2+$0x2F8] =	vst.add.f32.msk $0xffff, v1  }
.LBB2_23:
0xfc: {  	s30 =	sadd.s32 $0x1, s30  }
0xfd: {  	p2 =	seq.s32 s30, $0x0  }
.Ltmp17:
0xfe: {  	_ = 	snop;
	(pc) =	sbr.rel @p2 .LBB2_24-.Ltmp17, $2  }
0xff: {  	_ =	sdelay $0x2  }
0x100: {  	s26 =	sadd.s32 $0x1, s26;
	s29 =	sadd.s32 $0x100, s29;
	s28 =	smov.u32 s4  }
.LBB2_18:
0x101: {  	v1 =	vld.msk [tilespmem:s26+$0x0], $0x1;
	_ =	sdelay $0x4  }
0x102: {  	(v2sf) =	vpush v1, $0x0;
	_ =	sdelay $0xe  }
0x103: {  	s4 =	spop (v2sf)  }
0x104: {  	p2 =	sne.s32 s28, s4  }
.Ltmp18:
0x105: {  	_ = 	snop;
	(pc) =	sbr.rel @!p2 .LBB2_19-.Ltmp18, $3  }
0x106: {  	_ =	sdelay $0x1  }
0x107: {  	s2 =	sshll.u32 s25, $0xA  }
0x108: {  	s2 =	sshra.s32 s2, $0x2  }
0x109: {  	p2 =	seq.s32 s28, s0  }
.Ltmp19:
0x10a: {  	_ = 	snop;
	(pc) =	sbr.rel @!p2 .LBB2_21-.Ltmp19, $1  }
0x10b: {  	_ =	sdelay $0x3  }
.Ltmp20:
0x10c: {  	s2 =	sadd.s32 $0x208, s2;
	(pc) =	sbr.rel .LBB2_22-.Ltmp20, $4  }
0x10d: {  	[spmem:s17] =	stream.linear.scatter [tilespmem:s2], [sflag:$0x1], $0x100, $0x38;
	[tilespmem:$0x1E678] =	vst v63  }
0x10e: {  	_ =	swait.ge [sflag:s13], $0x100  }
0x10f: {  	[sflag:s13] =	ssyncset.done $0x0  }
0x110: {  	[sflag:s13] =	ssyncadd.s32 $0xFFFFFF00  }
.LBB2_21:
0x111: {  	s3 =	sshll.u32 s31, $0xA  }
0x112: {  	s3 =	sshra.s32 s3, $0x2  }
0x113: {  	v1 =	vld [tilespmem:s3+$0x7308];
	_ =	sdelay $0x4  }
0x114: {  	[tilespmem:s2+$0x208] =	vst.add.f32.msk $0xffff, v1  }
0x115: {  	v1 =	vld [tilespmem:s3+$0x7318];
	_ =	sdelay $0x4  }
0x116: {  	[tilespmem:s2+$0x218] =	vst.add.f32.msk $0xffff, v1  }
0x117: {  	v1 =	vld [tilespmem:s3+$0x7328];
	_ =	sdelay $0x4  }
0x118: {  	[tilespmem:s2+$0x228] =	vst.add.f32.msk $0xffff, v1  }
0x119: {  	v1 =	vld [tilespmem:s3+$0x7338];
	_ =	sdelay $0x4  }
0x11a: {  	[tilespmem:s2+$0x238] =	vst.add.f32.msk $0xffff, v1  }
0x11b: {  	v1 =	vld [tilespmem:s3+$0x7348];
	_ =	sdelay $0x4  }
0x11c: {  	[tilespmem:s2+$0x248] =	vst.add.f32.msk $0xffff, v1  }
0x11d: {  	v1 =	vld [tilespmem:s3+$0x7358];
	_ =	sdelay $0x4  }
0x11e: {  	[tilespmem:s2+$0x258] =	vst.add.f32.msk $0xffff, v1  }
0x11f: {  	v1 =	vld [tilespmem:s3+$0x7368];
	_ =	sdelay $0x4  }
0x120: {  	[tilespmem:s2+$0x268] =	vst.add.f32.msk $0xffff, v1  }
0x121: {  	v1 =	vld [tilespmem:s3+$0x7378];
	_ =	sdelay $0x4  }
0x122: {  	[tilespmem:s2+$0x278] =	vst.add.f32.msk $0xffff, v1  }
0x123: {  	v1 =	vld [tilespmem:s3+$0x7388];
	_ =	sdelay $0x4  }
0x124: {  	[tilespmem:s2+$0x288] =	vst.add.f32.msk $0xffff, v1  }
0x125: {  	v1 =	vld [tilespmem:s3+$0x7398];
	_ =	sdelay $0x4  }
0x126: {  	[tilespmem:s2+$0x298] =	vst.add.f32.msk $0xffff, v1  }
0x127: {  	v1 =	vld [tilespmem:s3+$0x73A8];
	_ =	sdelay $0x4  }
0x128: {  	[tilespmem:s2+$0x2A8] =	vst.add.f32.msk $0xffff, v1  }
0x129: {  	v1 =	vld [tilespmem:s3+$0x73B8];
	_ =	sdelay $0x4  }
0x12a: {  	[tilespmem:s2+$0x2B8] =	vst.add.f32.msk $0xffff, v1  }
0x12b: {  	v1 =	vld [tilespmem:s3+$0x73C8];
	_ =	sdelay $0x4  }
0x12c: {  	[tilespmem:s2+$0x2C8] =	vst.add.f32.msk $0xffff, v1  }
0x12d: {  	v1 =	vld [tilespmem:s3+$0x73D8];
	_ =	sdelay $0x4  }
0x12e: {  	[tilespmem:s2+$0x2D8] =	vst.add.f32.msk $0xffff, v1  }
0x12f: {  	v1 =	vld [tilespmem:s3+$0x73E8];
	_ =	sdelay $0x4  }
0x130: {  	[tilespmem:s2+$0x2E8] =	vst.add.f32.msk $0xffff, v1  }
0x131: {  	v1 =	vld [tilespmem:s3+$0x73F8];
	_ =	sdelay $0x2  }
0x132: {  	p2 =	sgt.u32 s28, $0x27F70  }
0x133: {  	s3 =	sand.u32 @!p2 $0x3FFF8, s28  }
0x134: {  	s6 =	sadd.s32 $0x208, s2;
	s10 =	sand.u32 @!p2 $0x7, s28;
	s3 =	sadd.s32 @!p2 s1, s3;
	[tilespmem:s2+$0x2F8] =	vst.add.f32.msk $0xffff, v1  }
0x135: {  	[hbm4b:s3+s10] =	stream.linear.scatter @!p2 [tilespmem:s6], [sflag:$0xC], $0x80, $0x38;
	[tilespmem:$0x1E678] =	vst v63  }
0x136: {  	s3 =	sadd.s32 @!p2 $0x80, s28  }
0x137: {  	s3 =	sand.u32 @!p2 $0x7FFF8, s3  }
0x138: {  	s2 =	sadd.s32 $0x288, s2;
	s3 =	sadd.s32 @!p2 s1, s3  }
0x139: {  	[hbm4b:s3+s10] =	stream.linear.scatter @!p2 [tilespmem:s2], [sflag:$0xC], $0x80, $0x38;
	[tilespmem:$0x1E678] =	vst v63  }
0x13a: {  	s2 =	simm.s32 $0x0  }
0x13b: {  	s2 =	simm.s32 @!p2 $0x400  }
0x13c: {  	s5 =	sadd.s32 s2, s5  }
.LBB2_22:
0x13d: {  	s2 =	sadd.s32 $0x1, s25  }
0x13e: {  	s3 =	sshrl.u32 s2, $0x4  }
0x13f: {  	s3 =	smulhi.u32 $0x24924925, s3  }
0x140: {  	v1 =	vld [tilespmem:s29+$0xFFFFFF80]  }
0x141: {  	s3 =	smul.u32 $0x70, s3;
	_ =	sdelay $0x1  }
0x142: {  	s25 =	ssub.s32 s2, s3  }
0x143: {  	s2 =	sshll.u32 s25, $0x8  }
0x144: {  	[tilespmem:s2+$0x208] =	vst v1  }
0x145: {  	v1 =	vld [tilespmem:s29+$0xFFFFFF90];
	_ =	sdelay $0x4  }
0x146: {  	[tilespmem:s2+$0x218] =	vst v1  }
0x147: {  	v1 =	vld [tilespmem:s29+$0xFFFFFFA0];
	_ =	sdelay $0x4  }
0x148: {  	[tilespmem:s2+$0x228] =	vst v1  }
0x149: {  	v1 =	vld [tilespmem:s29+$0xFFFFFFB0];
	_ =	sdelay $0x4  }
0x14a: {  	[tilespmem:s2+$0x238] =	vst v1  }
0x14b: {  	v1 =	vld [tilespmem:s29+$0xFFFFFFC0];
	_ =	sdelay $0x4  }
0x14c: {  	[tilespmem:s2+$0x248] =	vst v1  }
0x14d: {  	v1 =	vld [tilespmem:s29+$0xFFFFFFD0];
	_ =	sdelay $0x4  }
0x14e: {  	[tilespmem:s2+$0x258] =	vst v1  }
0x14f: {  	v1 =	vld [tilespmem:s29+$0xFFFFFFE0];
	_ =	sdelay $0x4  }
0x150: {  	[tilespmem:s2+$0x268] =	vst v1  }
0x151: {  	v1 =	vld [tilespmem:s29+$0xFFFFFFF0];
	_ =	sdelay $0x4  }
0x152: {  	[tilespmem:s2+$0x278] =	vst v1  }
0x153: {  	v1 =	vld [tilespmem:s29+$0x0];
	_ =	sdelay $0x4  }
0x154: {  	[tilespmem:s2+$0x288] =	vst v1  }
0x155: {  	v1 =	vld [tilespmem:s29+$0x10];
	_ =	sdelay $0x4  }
0x156: {  	[tilespmem:s2+$0x298] =	vst v1  }
0x157: {  	v1 =	vld [tilespmem:s29+$0x20];
	_ =	sdelay $0x4  }
0x158: {  	[tilespmem:s2+$0x2A8] =	vst v1  }
0x159: {  	v1 =	vld [tilespmem:s29+$0x30];
	_ =	sdelay $0x4  }
0x15a: {  	[tilespmem:s2+$0x2B8] =	vst v1  }
0x15b: {  	v1 =	vld [tilespmem:s29+$0x40];
	_ =	sdelay $0x4  }
0x15c: {  	[tilespmem:s2+$0x2C8] =	vst v1  }
0x15d: {  	v1 =	vld [tilespmem:s29+$0x50];
	_ =	sdelay $0x4  }
0x15e: {  	[tilespmem:s2+$0x2D8] =	vst v1  }
0x15f: {  	v1 =	vld [tilespmem:s29+$0x60];
	_ =	sdelay $0x4  }
0x160: {  	[tilespmem:s2+$0x2E8] =	vst v1  }
0x161: {  	v1 =	vld [tilespmem:s29+$0x70]  }
.Ltmp21:
0x162: {  	_ = 	snop;
	(pc) =	sbr.rel .LBB2_23-.Ltmp21, $2  }
0x163: {  	_ =	sdelay $0x2  }
0x164: {  	s31 =	sadd.s32 $0x1, s31;
	[tilespmem:s2+$0x2F8] =	vst v1  }
.LBB2_25:
.Ltmp22:
0x165: {  	(pc) =	sbr.rel .LBB2_26-.Ltmp22, $4  }
0x166: {  	_ = 	snop  }
0x167: {  	s2 =	simm.s32 $0x2  }
0x168: {  	_ =	swait.ge [sflag:s2], $0x0  }
0x169: {  	s4 =	smov.u32 s28;
	[sflag:s2] =	ssyncset.done $0x0;
	s2 =	simm.s32 $0x0  }
.LBB2_28:
0x16a: {  	_ =	sfence.sel $0x180000  }
0x16b: {  	s0 =	simm.s32 $0x9;
	[bflag:$0x0] =	sbarrier.arrive $0xFFFF  }
0x16c: {  	s24 =	simm.s32 $0xA;
	[sflag:s0] =	ssyncpa.u1 $0x1  }
0x16d: {  	s25 =	simm.s32 $0xB;
	[sflag:s24] =	ssyncpa.u1 $0x1  }
0x16e: {  	s26 =	simm.s32 $0x2;
	[sflag:s25] =	ssyncpa.u1 $0x1  }
0x16f: {  	[sflag:s26] =	ssyncpa.u1 $0x1  }
0x170: {  	v0 =	vld [tilespmem:$0xE408];
	_ =	sdelay $0x4  }
0x171: {  	(v2sf) =	vpush v0, $0x0  }
0x172: {  	(v2sf) =	vpush v0, $0x1;
	_ =	sdelay $0x2  }
0x173: {  	(v2sf) =	vpush v0, $0x2;
	_ =	sdelay $0xa  }
0x174: {  	s0 =	spop (v2sf)  }
0x175: {  	s2 =	spop (v2sf)  }
0x176: {  	s3 =	smov.u32 s0;
	p0 =	sne.s32 s0, s2  }
0x177: {  	s3 =	simm.s32 @!p0 $0xFFFFFFFF  }
0x178: {  	v2 =	vimm.s32 $0x1;
	v3 =	vlaneseq.u32;
	v1 =	vmov s3;
	s3 =	spop (v2sf)  }
0x179: {  	v0 =	vperm.xlane v0, v2;
	v1 =	vperm.xlane v1, v3;
	p0 =	seq.s32 s3, $0xFFFFFFFF  }
0x17a: {  	vm0 =	vcmask $0x3F04;
	s5 =	simm.s32 $0xE408;
	p1 =	sne.s32 @!p0 s0, s2  }
0x17b: {  	s6 =	rddreg [dreg:$0x5];
	s0 =	simm.s32 @!p0 $0x1;
	v0 =	vsel vm0, v1, v0;
	p1 =	por !p1, p0  }
0x17c: {  	s4 =	sor.u32 $0x2000, s6;
	s2 =	sshll.u32 @!p0 s3, $0xA;
	[tilespmem:$0xE408] =	vst v0;
	s0 =	simm.s32 @p1 $0x0  }
0x17d: {  	[spmem:s4] =	stream.linear.scatter [tilespmem:s5], [sflag:$0x1], $0x2, $0x38;
	[tilespmem:$0x1E678] =	vst v63  }
0x17e: {  	s2 =	sshra.s32 @!p0 s2, $0x2;
	s0 =	sor.u32 @!p0 s0, s6  }
0x17f: {  	s2 =	sadd.s32 @!p0 $0x208, s2;
	s0 =	sshll.u32 @!p0 s0, $0x8  }
0x180: {  	[spmem:s0] =	stream.linear.scatter @!p0 [tilespmem:s2], [sflag:$0x1], $0x100, $0x38;
	[tilespmem:$0x1E678] =	vst v63  }
0x181: {  	s0 =	simm.s32 @!p0 $0x102  }
0x182: {  	s28 =	simm.s32 $0x1;
	s0 =	simm.s32 @p0 $0x2  }
0x183: {  	_ =	swait.ge [sflag:s28], s0  }
0x184: {  	s15 =	stileid.u32;
	s0 =	ssub.s32 $0x0, s0;
	[sflag:s28] =	ssyncset.done $0x0  }
0x185: {  	p0 =	sne.s32 s15, $0x0;
	[sflag:s28] =	ssyncadd.s32 s0  }
.Ltmp23:
0x186: {  	_ =	sfence.stream.spmem;
	(pc) =	sbr.rel @p0 .LBB2_45-.Ltmp23, $4  }
0x187: {  	s29 =	simm.s32 $0x3;
	[bflag:$0x0] =	sbarrier.arrive $0xFFFF  }
0x188: {  	s30 =	simm.s32 $0x4;
	[sflag:s29] =	ssyncpa.u1 $0x1  }
0x189: {  	s31 =	simm.s32 $0x3C;
	[sflag:s30] =	ssyncpa.u1 $0x1  }
0x18a: {  	s14 =	rddreg [dreg:$0x4];
	[sflag:s31] =	ssyncpa.u1 $0x1  }
0x18b: {  	_ =	sfence.stream.spmem;
	s0 =	simm.s32 $0x5  }
0x18c: {  	s2 =	simm.s32 $0x2000;
	s3 =	simm.s32 $0xE418;
	[sflag:s0] =	ssyncpa.u1 $0x0  }
0x18d: {  	[tilespmem:s3], [sflag:$0x5] =	stream.linear.gather [spmem:s2], $0x20, $0x38;
	[tilespmem:$0x1E678] =	vst v63  }
0x18e: {  	s26 =	simm.s32 $0x0;
	s28 =	simm.s32 $0xE438  }
0x18f: {  	[tilespmem:s28], [sflag:$0x5] =	stream.linear.gather [spmem:s26], $0x2000, $0x38;
	[tilespmem:$0x1E678] =	vst v63  }
0x190: {  	_ =	swait.ge [sflag:s0], $0x2020  }
0x191: {  	[sflag:s0] =	ssyncset.done $0x0  }
0x192: {  	s29 =	simm.s32 $0x0;
	[sflag:s0] =	ssyncadd.s32 $0xFFFFDFE0  }
0x193: {  	v0 =	vld.msk [tilespmem:s29+$0xE418], $0x1;
	_ =	sdelay $0x1  }
0x194: {  	s30 =	simm.s32 $0x1  }
0x195: {  	v1 =	vld.msk [tilespmem:s30+$0xE418], $0x1;
	_ =	sdelay $0x1  }
0x196: {  	(v2sf) =	vpush v0, $0x0;
	_ =	sdelay $0x2  }
0x197: {  	(v2sf) =	vpush v1, $0x0;
	_ =	sdelay $0x2  }
0x198: {  	s31 =	simm.s32 $0x2  }
0x199: {  	v0 =	vld.msk [tilespmem:s31+$0xE418], $0x1;
	_ =	sdelay $0x2  }
0x19a: {  	s2 =	simm.s32 $0xFFFFFFFF;
	s3 =	simm.s32 $0xFFFFFFFF;
	s0 =	simm.s32 $0xC  }
.LBB2_30:
0x19b: {  	s4 =	smov.u32 s3;
	s5 =	smov.u32 s2  }
0x19c: {  	s2 =	sshra.s32 s0, $0x2;
	p1 =	sne.s32 s0, $0x7C;
	s0 =	sadd.s32 $0x4, s0;
	(v2sf) =	vpush v0, $0x0  }
0x19d: {  	v0 =	vld.msk [tilespmem:s2+$0xE418], $0x1  }
.Ltmp24:
0x19e: {  	(pc) =	sbr.rel @p1 .LBB2_30-.Ltmp24, $4  }
0x19f: {  	s3 =	spop (v2sf)  }
0x1a0: {  	p2 =	sne.s32 s5, $0xFFFFFFFF;
	s2 =	smov.u32 s3  }
0x1a1: {  	p3 =	seq.s32 s3, $0xFFFFFFFF;
	s2 =	smov.u32 @p2 s5  }
0x1a2: {  	s3 =	smov.u32 @p3 s4;
	s2 =	smov.u32 @p3 s5  }
0x1a3: {  	(v2sf) =	vpush v0, $0x0;
	_ =	sdelay $0x8  }
0x1a4: {  	s0 =	spop (v2sf)  }
0x1a5: {  	p1 =	sne.s32 s2, $0xFFFFFFFF;
	s9 =	simm.s32 $0x6;
	s4 =	smov.u32 s0  }
0x1a6: {  	s6 =	simm.s32 $0x0;
	p2 =	seq.s32 s0, $0xFFFFFFFF;
	s4 =	smov.u32 @p1 s2  }
0x1a7: {  	s10 =	simm.s32 $0xE308;
	s4 =	smov.u32 @p2 s2;
	s2 =	spop (v2sf)  }
0x1a8: {  	s0 =	smov.u32 @p2 s3;
	p1 =	sne.s32 s4, $0xFFFFFFFF;
	s5 =	smov.u32 s2  }
.Ltmp25:
0x1a9: {  	p2 =	seq.s32 s2, $0xFFFFFFFF;
	s5 =	smov.u32 @p1 s4;
	(pc) =	sbr.rel .LBB2_32-.Ltmp25, $4  }
0x1aa: {  	s11 =	simm.s32 $0xE388;
	s5 =	smov.u32 @p2 s4;
	s7 =	spop (v2sf)  }
0x1ab: {  	s12 =	simm.s32 $0x0;
	p1 =	sne.s32 s5, $0xFFFFFFFF;
	s8 =	smov.u32 s7  }
0x1ac: {  	s2 =	smov.u32 @p2 s0;
	p2 =	seq.s32 s7, $0xFFFFFFFF;
	s8 =	smov.u32 @p1 s5  }
0x1ad: {  	[sflag:s9] =	ssyncpa.u1 $0x0;
	s7 =	smov.u32 @p2 s2;
	s8 =	smov.u32 @p2 s5  }
.LBB2_38:
0x1ae: {  	p1 =	sgt.u32 s0, $0x27F70  }
0x1af: {  	p2 =	seq.s32 @!p1 s0, s8  }
0x1b0: {  	p1 =	por p1, p2  }
0x1b1: {  	p2 =	sne.s32 @!p1 s0, s7  }
0x1b2: {  	p1 =	por p1, !p2  }
0x1b3: {  	s0 =	sshll.u32 @p1 s12, $0xA  }
0x1b4: {  	s2 =	sand.u32 @!p1 $0x3FFF8, s0;
	s3 =	sand.u32 @!p1 $0x7, s0;
	s0 =	sadd.s32 @!p1 $0x80, s0  }
0x1b5: {  	s2 =	sadd.s32 @!p1 s1, s2;
	s0 =	sand.u32 @!p1 $0x7FFF8, s0  }
0x1b6: {  	[tilespmem:s10], [sflag:$0x6] =	stream.linear.gather @!p1 [hbm4b:s2+s3], $0x80, $0x38;
	[tilespmem:$0x1E678] =	vst v63  }
0x1b7: {  	s0 =	sadd.s32 @!p1 s1, s0  }
0x1b8: {  	[tilespmem:s11], [sflag:$0x6] =	stream.linear.gather @!p1 [hbm4b:s0+s3], $0x80, $0x38;
	[tilespmem:$0x1E678] =	vst v63  }
0x1b9: {  	_ =	swait.ge @!p1 [sflag:s9], $0x100  }
0x1ba: {  	[sflag:s9] =	ssyncset.done @!p1 $0x0  }
0x1bb: {  	[sflag:s9] =	ssyncadd.s32 @!p1 $0xFFFFFF00  }
0x1bc: {  	v1 =	vld @!p1 [tilespmem:$0xE308];
	_ =	sdelay $0x2  }
0x1bd: {  	s0 =	sshll.u32 @!p1 s12, $0xA  }
0x1be: {  	s2 =	sshrl.u32 @!p1 s0, $0x2  }
0x1bf: {  	[tilespmem:s2+$0xE438] =	vst.add.f32.msk @!p1 $0xffff, v1  }
0x1c0: {  	v1 =	vld @!p1 [tilespmem:$0xE318];
	_ =	sdelay $0x4  }
0x1c1: {  	[tilespmem:s2+$0xE448] =	vst.add.f32.msk @!p1 $0xffff, v1  }
0x1c2: {  	v1 =	vld @!p1 [tilespmem:$0xE328];
	_ =	sdelay $0x4  }
0x1c3: {  	[tilespmem:s2+$0xE458] =	vst.add.f32.msk @!p1 $0xffff, v1  }
0x1c4: {  	v1 =	vld @!p1 [tilespmem:$0xE338];
	_ =	sdelay $0x4  }
0x1c5: {  	[tilespmem:s2+$0xE468] =	vst.add.f32.msk @!p1 $0xffff, v1  }
0x1c6: {  	v1 =	vld @!p1 [tilespmem:$0xE348];
	_ =	sdelay $0x4  }
0x1c7: {  	[tilespmem:s2+$0xE478] =	vst.add.f32.msk @!p1 $0xffff, v1  }
0x1c8: {  	v1 =	vld @!p1 [tilespmem:$0xE358];
	_ =	sdelay $0x4  }
0x1c9: {  	[tilespmem:s2+$0xE488] =	vst.add.f32.msk @!p1 $0xffff, v1  }
0x1ca: {  	v1 =	vld @!p1 [tilespmem:$0xE368];
	_ =	sdelay $0x4  }
0x1cb: {  	[tilespmem:s2+$0xE498] =	vst.add.f32.msk @!p1 $0xffff, v1  }
0x1cc: {  	v1 =	vld @!p1 [tilespmem:$0xE378];
	_ =	sdelay $0x4  }
0x1cd: {  	[tilespmem:s2+$0xE4A8] =	vst.add.f32.msk @!p1 $0xffff, v1  }
0x1ce: {  	v1 =	vld @!p1 [tilespmem:$0xE388];
	_ =	sdelay $0x4  }
0x1cf: {  	[tilespmem:s2+$0xE4B8] =	vst.add.f32.msk @!p1 $0xffff, v1  }
0x1d0: {  	v1 =	vld @!p1 [tilespmem:$0xE398];
	_ =	sdelay $0x4  }
0x1d1: {  	[tilespmem:s2+$0xE4C8] =	vst.add.f32.msk @!p1 $0xffff, v1  }
0x1d2: {  	v1 =	vld @!p1 [tilespmem:$0xE3A8];
	_ =	sdelay $0x4  }
0x1d3: {  	[tilespmem:s2+$0xE4D8] =	vst.add.f32.msk @!p1 $0xffff, v1  }
0x1d4: {  	v1 =	vld @!p1 [tilespmem:$0xE3B8];
	_ =	sdelay $0x4  }
0x1d5: {  	[tilespmem:s2+$0xE4E8] =	vst.add.f32.msk @!p1 $0xffff, v1  }
0x1d6: {  	v1 =	vld @!p1 [tilespmem:$0xE3C8];
	_ =	sdelay $0x4  }
0x1d7: {  	[tilespmem:s2+$0xE4F8] =	vst.add.f32.msk @!p1 $0xffff, v1  }
0x1d8: {  	v1 =	vld @!p1 [tilespmem:$0xE3D8];
	_ =	sdelay $0x4  }
0x1d9: {  	[tilespmem:s2+$0xE508] =	vst.add.f32.msk @!p1 $0xffff, v1  }
0x1da: {  	v1 =	vld @!p1 [tilespmem:$0xE3E8];
	_ =	sdelay $0x4  }
0x1db: {  	[tilespmem:s2+$0xE518] =	vst.add.f32.msk @!p1 $0xffff, v1  }
0x1dc: {  	v1 =	vld @!p1 [tilespmem:$0xE3F8];
	_ =	sdelay $0x4  }
0x1dd: {  	[tilespmem:s2+$0xE528] =	vst.add.f32.msk @!p1 $0xffff, v1  }
0x1de: {  	s0 =	sshrl.u32 s0, $0x2;
	[tilespmem:s6+$0xE418] =	vst.msk $0x1, v0  }
0x1df: {  	v0 =	vld [tilespmem:s0+$0xE438];
	_ =	sdelay $0x2  }
0x1e0: {  	s31 =	sshll.u32 s6, $0xA  }
0x1e1: {  	s2 =	sshra.s32 s31, $0x2  }
0x1e2: {  	[tilespmem:s2+$0xE438] =	vst v0  }
0x1e3: {  	v0 =	vld [tilespmem:s0+$0xE448];
	_ =	sdelay $0x4  }
0x1e4: {  	[tilespmem:s2+$0xE448] =	vst v0  }
0x1e5: {  	v0 =	vld [tilespmem:s0+$0xE458];
	_ =	sdelay $0x4  }
0x1e6: {  	[tilespmem:s2+$0xE458] =	vst v0  }
0x1e7: {  	v0 =	vld [tilespmem:s0+$0xE468];
	_ =	sdelay $0x4  }
0x1e8: {  	[tilespmem:s2+$0xE468] =	vst v0  }
0x1e9: {  	v0 =	vld [tilespmem:s0+$0xE478];
	_ =	sdelay $0x4  }
0x1ea: {  	[tilespmem:s2+$0xE478] =	vst v0  }
0x1eb: {  	v0 =	vld [tilespmem:s0+$0xE488];
	_ =	sdelay $0x4  }
0x1ec: {  	[tilespmem:s2+$0xE488] =	vst v0  }
0x1ed: {  	v0 =	vld [tilespmem:s0+$0xE498];
	_ =	sdelay $0x4  }
0x1ee: {  	[tilespmem:s2+$0xE498] =	vst v0  }
0x1ef: {  	v0 =	vld [tilespmem:s0+$0xE4A8];
	_ =	sdelay $0x4  }
0x1f0: {  	[tilespmem:s2+$0xE4A8] =	vst v0  }
0x1f1: {  	v0 =	vld [tilespmem:s0+$0xE4B8];
	_ =	sdelay $0x4  }
0x1f2: {  	[tilespmem:s2+$0xE4B8] =	vst v0  }
0x1f3: {  	v0 =	vld [tilespmem:s0+$0xE4C8];
	_ =	sdelay $0x4  }
0x1f4: {  	[tilespmem:s2+$0xE4C8] =	vst v0  }
0x1f5: {  	v0 =	vld [tilespmem:s0+$0xE4D8];
	_ =	sdelay $0x4  }
0x1f6: {  	[tilespmem:s2+$0xE4D8] =	vst v0  }
0x1f7: {  	v0 =	vld [tilespmem:s0+$0xE4E8];
	_ =	sdelay $0x4  }
0x1f8: {  	[tilespmem:s2+$0xE4E8] =	vst v0  }
0x1f9: {  	v0 =	vld [tilespmem:s0+$0xE4F8];
	_ =	sdelay $0x4  }
0x1fa: {  	[tilespmem:s2+$0xE4F8] =	vst v0  }
0x1fb: {  	v0 =	vld [tilespmem:s0+$0xE508];
	_ =	sdelay $0x4  }
0x1fc: {  	[tilespmem:s2+$0xE508] =	vst v0  }
0x1fd: {  	v0 =	vld [tilespmem:s0+$0xE518];
	_ =	sdelay $0x4  }
0x1fe: {  	[tilespmem:s2+$0xE518] =	vst v0  }
0x1ff: {  	v0 =	vld [tilespmem:s0+$0xE528];
	_ =	sdelay $0x4  }
0x200: {  	s6 =	sadd.s32 $0x1, s6;
	[tilespmem:s2+$0xE528] =	vst v0  }
.LBB2_39:
0x201: {  	s12 =	sadd.s32 $0x1, s12  }
0x202: {  	p1 =	sne.s32 s12, $0x20  }
.Ltmp26:
0x203: {  	_ = 	snop;
	(pc) =	sbr.rel @!p1 .LBB2_40-.Ltmp26, $1  }
0x204: {  	_ =	sdelay $0x3  }
.LBB2_32:
0x205: {  	v0 =	vld.msk [tilespmem:s12+$0xE418], $0x1;
	_ =	sdelay $0x4  }
0x206: {  	(v2sf) =	vpush v0, $0x0;
	_ =	sdelay $0xe  }
0x207: {  	s0 =	spop (v2sf)  }
0x208: {  	p1 =	seq.s32 s0, $0xFFFFFFFF  }
.Ltmp27:
0x209: {  	_ = 	snop;
	(pc) =	sbr.rel @p1 .LBB2_39-.Ltmp27, $1  }
0x20a: {  	_ =	sdelay $0x3  }
0x20b: {  	p1 =	slt.s32 s6, $0x1  }
.Ltmp28:
0x20c: {  	_ = 	snop;
	(pc) =	sbr.rel @p1 .LBB2_38-.Ltmp28, $1  }
0x20d: {  	_ =	sdelay $0x3  }
0x20e: {  	s2 =	simm.s32 $0xE418;
	p1 =	por $0x0, $0x0  }
0x20f: {  	v1 =	vld.msk @!p1 [tilespmem:s2+$0x0], $0x1;
	_ =	sdelay $0x4  }
0x210: {  	(v2sf) =	vpush @!p1 v1, $0x0;
	_ =	sdelay $0xd  }
0x211: {  	p3 =	sne.s32 s6, $0x1  }
.Ltmp29:
0x212: {  	s3 =	spop @!p1 (v2sf);
	(pc) =	sbr.rel @!p3 .LBB2_36-.Ltmp29, $4  }
0x213: {  	p2 =	seq.s32 @!p1 s0, s3  }
0x214: {  	s4 =	simm.s32 $0x0;
	p2 =	por !p2, p1  }
0x215: {  	s3 =	simm.s32 $0xFFFFFFFF;
	s4 =	simm.s32 @p2 $0xFFFFFFFF  }
0x216: {  	s5 =	simm.s32 $0x1;
	s4 =	smov.u32 @p1 s3  }
.LBB2_35:
0x217: {  	s3 =	smov.u32 s4;
	p1 =	sne.s32 s4, $0xFFFFFFFF  }
0x218: {  	s2 =	sadd.s32 $0x1, s2;
	s4 =	smov.u32 s5;
	s5 =	sadd.s32 $0x1, s5  }
0x219: {  	p2 =	sne.s32 s6, s5;
	v1 =	vld.msk @!p1 [tilespmem:s2+$0x0], $0x1;
	_ =	sdelay $0x4  }
0x21a: {  	(v2sf) =	vpush @!p1 v1, $0x0;
	_ =	sdelay $0xe  }
.Ltmp30:
0x21b: {  	s13 =	spop @!p1 (v2sf);
	(pc) =	sbr.rel @p2 .LBB2_35-.Ltmp30, $4  }
0x21c: {  	p3 =	seq.s32 @!p1 s0, s13  }
0x21d: {  	p3 =	por !p3, p1  }
0x21e: {  	s4 =	simm.s32 @p3 $0xFFFFFFFF  }
0x21f: {  	s4 =	smov.u32 @p1 s3  }
.LBB2_36:
0x220: {  	p1 =	seq.s32 s4, $0xFFFFFFFF  }
.Ltmp31:
0x221: {  	_ = 	snop;
	(pc) =	sbr.rel @p1 .LBB2_38-.Ltmp31, $1  }
0x222: {  	_ =	sdelay $0x3  }
0x223: {  	s0 =	sshll.u32 s12, $0x8  }
0x224: {  	s0 =	sand.u32 $0x3FFFFF00, s0  }
0x225: {  	v0 =	vld [tilespmem:s0+$0xE438];
	_ =	sdelay $0x2  }
0x226: {  	s2 =	sshll.u32 s4, $0xA  }
0x227: {  	s2 =	sshra.s32 s2, $0x2  }
0x228: {  	[tilespmem:s2+$0xE438] =	vst.add.f32.msk $0xffff, v0  }
0x229: {  	v0 =	vld [tilespmem:s0+$0xE448];
	_ =	sdelay $0x4  }
0x22a: {  	[tilespmem:s2+$0xE448] =	vst.add.f32.msk $0xffff, v0  }
0x22b: {  	v0 =	vld [tilespmem:s0+$0xE458];
	_ =	sdelay $0x4  }
0x22c: {  	[tilespmem:s2+$0xE458] =	vst.add.f32.msk $0xffff, v0  }
0x22d: {  	v0 =	vld [tilespmem:s0+$0xE468];
	_ =	sdelay $0x4  }
0x22e: {  	[tilespmem:s2+$0xE468] =	vst.add.f32.msk $0xffff, v0  }
0x22f: {  	v0 =	vld [tilespmem:s0+$0xE478];
	_ =	sdelay $0x4  }
0x230: {  	[tilespmem:s2+$0xE478] =	vst.add.f32.msk $0xffff, v0  }
0x231: {  	v0 =	vld [tilespmem:s0+$0xE488];
	_ =	sdelay $0x4  }
0x232: {  	[tilespmem:s2+$0xE488] =	vst.add.f32.msk $0xffff, v0  }
0x233: {  	v0 =	vld [tilespmem:s0+$0xE498];
	_ =	sdelay $0x4  }
0x234: {  	[tilespmem:s2+$0xE498] =	vst.add.f32.msk $0xffff, v0  }
0x235: {  	v0 =	vld [tilespmem:s0+$0xE4A8];
	_ =	sdelay $0x4  }
0x236: {  	[tilespmem:s2+$0xE4A8] =	vst.add.f32.msk $0xffff, v0  }
0x237: {  	v0 =	vld [tilespmem:s0+$0xE4B8];
	_ =	sdelay $0x4  }
0x238: {  	[tilespmem:s2+$0xE4B8] =	vst.add.f32.msk $0xffff, v0  }
0x239: {  	v0 =	vld [tilespmem:s0+$0xE4C8];
	_ =	sdelay $0x4  }
0x23a: {  	[tilespmem:s2+$0xE4C8] =	vst.add.f32.msk $0xffff, v0  }
0x23b: {  	v0 =	vld [tilespmem:s0+$0xE4D8];
	_ =	sdelay $0x4  }
0x23c: {  	[tilespmem:s2+$0xE4D8] =	vst.add.f32.msk $0xffff, v0  }
0x23d: {  	v0 =	vld [tilespmem:s0+$0xE4E8];
	_ =	sdelay $0x4  }
0x23e: {  	[tilespmem:s2+$0xE4E8] =	vst.add.f32.msk $0xffff, v0  }
0x23f: {  	v0 =	vld [tilespmem:s0+$0xE4F8];
	_ =	sdelay $0x4  }
0x240: {  	[tilespmem:s2+$0xE4F8] =	vst.add.f32.msk $0xffff, v0  }
0x241: {  	v0 =	vld [tilespmem:s0+$0xE508];
	_ =	sdelay $0x4  }
0x242: {  	[tilespmem:s2+$0xE508] =	vst.add.f32.msk $0xffff, v0  }
0x243: {  	v0 =	vld [tilespmem:s0+$0xE518];
	_ =	sdelay $0x4  }
0x244: {  	[tilespmem:s2+$0xE518] =	vst.add.f32.msk $0xffff, v0  }
0x245: {  	v0 =	vld [tilespmem:s0+$0xE528]  }
.Ltmp32:
0x246: {  	_ = 	snop;
	(pc) =	sbr.rel .LBB2_39-.Ltmp32, $2  }
0x247: {  	_ =	sdelay $0x2  }
0x248: {  	[tilespmem:s2+$0xE528] =	vst.add.f32.msk $0xffff, v0  }
.LBB2_40:
0x249: {  	s0 =	simm.s32 $0x6;
	p1 =	seq.s32 s6, $0x0  }
0x24a: {  	[sflag:s0] =	ssyncpa.u1 $0x1;
	v0 =	vimm.s32 @p1 $0xFFFFFFFF  }
0x24b: {  	s0 =	sadd.s32 $0xFFFFFFFF, s6;
	[tilespmem:$0x10438] =	vst @p1 v0  }
0x24c: {  	v0 =	vld.msk @!p1 [tilespmem:s0+$0xE418], $0x1;
	_ =	sdelay $0x1  }
0x24d: {  	v1 =	vld.msk @!p1 [tilespmem:$0xE418], $0x1;
	_ =	sdelay $0x2  }
0x24e: {  	p2 =	seq.s32 @!p1 s0, $0x0;
	v0 =	vbroadcast @!p1 v0, $0x0  }
0x24f: {  	vm0 =	vmmov @!p1 $0x1;
	p2 =	por !p2, p1  }
0x250: {  	v1 =	vnsel @!p1 vm0, $0xFFFFFFFF, v1;
	vm0 =	vcmask @!p1 $0x308;
	v0 =	vpsel !p2, $0xFFFFFFFF, v0  }
0x251: {  	p2 =	sne.s32 @!p1 s8, s7;
	v0 =	vsel @!p1 vm0, v1, v0  }
0x252: {  	s2 =	simm.s32 @!p1 $0xE438;
	s3 =	simm.s32 @!p1 $0x0;
	p3 =	por !p2, p1;
	[tilespmem:$0x10438] =	vst @!p1 v0  }
0x253: {  	[spmem:s3] =	stream.linear.scatter @!p1 [tilespmem:s2], [sflag:$0x1], $0x100, $0x38;
	[tilespmem:$0x1E678] =	vst v63  }
0x254: {  	s2 =	sshll.u32 @!p3 s0, $0xA  }
0x255: {  	s2 =	sshra.s32 @!p3 s2, $0x2  }
0x256: {  	s3 =	simm.s32 @!p3 $0x100;
	s2 =	sadd.s32 @!p3 $0xE438, s2  }
0x257: {  	[spmem:s3] =	stream.linear.scatter @!p3 [tilespmem:s2], [sflag:$0x1], $0x100, $0x38;
	[tilespmem:$0x1E678] =	vst v63  }
0x258: {  	s2 =	simm.s32 @!p3 $0x1  }
0x259: {  	_ =	swait.ge @!p3 [sflag:s2], $0x200  }
0x25a: {  	p1 =	por p2, p1;
	[sflag:s2] =	ssyncset.done @!p3 $0x0  }
0x25b: {  	[sflag:s2] =	ssyncadd.s32 @!p3 $0xFFFFFE00;
	s2 =	simm.s32 @!p1 $0x1  }
0x25c: {  	_ =	swait.ge @!p1 [sflag:s2], $0x100  }
0x25d: {  	s29 =	simm.s32 $0x10438;
	[sflag:s2] =	ssyncset.done @!p1 $0x0  }
0x25e: {  	s30 =	simm.s32 $0x2000;
	s31 =	simm.s32 $0x1;
	[sflag:s2] =	ssyncadd.s32 @!p1 $0xFFFFFF00  }
0x25f: {  	[spmem:s30] =	stream.linear.scatter [tilespmem:s29], [sflag:$0x1], $0x10, $0x38;
	[tilespmem:$0x1E678] =	vst v63  }
0x260: {  	_ =	swait.ge [sflag:s31], $0x10  }
0x261: {  	[sflag:s31] =	ssyncset.done $0x0  }
0x262: {  	p1 =	seq.s32 s14, $0x0;
	s9 =	rddreg [dreg:$0x1];
	[sflag:s31] =	ssyncadd.s32 $0xFFFFFFF0  }
0x263: {  	s3 =	sshll.u32 @p1 s9, $0xE;
	s8 =	rddreg [dreg:$0x2]  }
0x264: {  	s2 =	sadd.s32 @p1 $0x15C3C, s3;
	s3 =	sshll.u32 @p1 s8, $0x11  }
0x265: {  	_ =	sfence.stream.spmem;
	s2 =	sor.u32 @p1 s3, s2  }
0x266: {  	[sflag:s2] =	ssyncadd.remote.s32 @p1 $0x1;
	s2 =	simm.s32 @p1 $0x4  }
0x267: {  	s4 =	simm.s32 @!p1 $0x3C;
	s3 =	sand.u32 $0xFFFFFFFE, s9;
	_ =	swait.ge @p1 [sflag:s2], $0x42  }
0x268: {  	s5 =	simm.s32 @!p1 $0x0;
	s3 =	sadd.s32 @!p1 $0x4, s3;
	[sflag:s2] =	ssyncset.done @p1 $0x0  }
0x269: {  	s7 =	simm.s32 @!p1 $0x200;
	[sflag:s2] =	ssyncadd.s32 @p1 $0xFFFFFFBE;
	s2 =	sshll.u32 @!p1 s3, $0x1A  }
0x26a: {  	s3 =	sshll.u32 @!p1 s3, $0xD;
	s2 =	sor.u32 @!p1 s2, s8;
	_ =	swait.eq @!p1 [sflag:s4], $0x1  }
0x26b: {  	s3 =	sor.u32 @!p1 $0x1C04, s3;
	s4 =	simm.s32 @!p1 $0x1C03;
	s2 =	sor.u32 @!p1 $0x80004000, s2  }
0x26c: {  	[spmem:s7], [sflag:s3] =	dma.general @!p1 [spmem:s5], [sflag:s4], length:$0x40, [dreg:$0x0], stride_count:$0x0, ici_dest:s2, dma_misc:DstOpCode:WRITE  }
0x26d: {  	p2 =	slt.s32 s0, $0x2;
	s5 =	simm.s32 @!p1 $0x400;
	s7 =	simm.s32 @!p1 $0x402  }
0x26e: {  	[spmem:s7], [sflag:s3] =	dma.general @!p1 [spmem:s5], [sflag:s4], length:$0x2, [dreg:$0x0], stride_count:$0x0, ici_dest:s2, dma_misc:DstOpCode:WRITE  }
.Ltmp33:
0x26f: {  	s2 =	simm.s32 @!p1 $0x3;
	(pc) =	sbr.rel @p2 .LBB2_44-.Ltmp33, $4  }
0x270: {  	s3 =	sshll.u32 @!p1 s9, $0xE;
	_ =	swait.ge @!p1 [sflag:s2], $0x42  }
0x271: {  	s4 =	sshll.u32 @!p1 s8, $0x11;
	s3 =	sadd.s32 @!p1 $0x11C3C, s3;
	[sflag:s2] =	ssyncset.done @!p1 $0x0  }
0x272: {  	[sflag:s2] =	ssyncadd.s32 @!p1 $0xFFFFFFBE;
	s2 =	sor.u32 @!p1 s4, s3  }
0x273: {  	s0 =	simm.s32 $0x0;
	[sflag:s2] =	ssyncadd.remote.s32 @!p1 $0xFFFFFFFF  }
0x274: {  	s0 =	simm.s32 $0xE419  }
0x275: {  	v0 =	vld.msk [tilespmem:s0+$0x0], $0x1;
	_ =	sdelay $0x4  }
0x276: {  	(v2sf) =	vpush v0, $0x0;
	_ =	sdelay $0xd  }
0x277: {  	s31 =	sadd.s32 $0xFFFFFFFE, s6  }
0x278: {  	s5 =	simm.s32 $0x0;
	s0 =	sadd.s32 $0xFFFFFFFF, s31;
	s3 =	spop (v2sf)  }
0x279: {  	s4 =	simm.s32 $0xE538;
	p1 =	sne.s32 s0, $0x0;
	p2 =	sgt.u32 s3, $0x27F70  }
.Ltmp34:
0x27a: {  	s2 =	simm.s32 $0xE638;
	s6 =	sand.u32 @!p2 $0x3FFF8, s3;
	(pc) =	sbr.rel @!p1 .LBB2_43-.Ltmp34, $4  }
0x27b: {  	s7 =	sadd.s32 @!p2 $0x80, s3;
	s3 =	sand.u32 @!p2 $0x7, s3;
	s5 =	simm.s32 @!p2 $0x400  }
0x27c: {  	s6 =	sadd.s32 @!p2 s1, s6;
	s7 =	sand.u32 @!p2 $0x7FFF8, s7;
	s5 =	sadd.s32 $0x0, s5  }
0x27d: {  	[hbm4b:s6+s3] =	stream.linear.scatter @!p2 [tilespmem:s4], [sflag:$0x5], $0x80, $0x38;
	[tilespmem:$0x1E678] =	vst v63  }
0x27e: {  	s4 =	simm.s32 $0xE41A;
	s6 =	simm.s32 @!p2 $0xE5B8;
	s7 =	sadd.s32 @!p2 s1, s7  }
.LBB2_42:
0x27f: {  	[hbm4b:s7+s3] =	stream.linear.scatter @!p2 [tilespmem:s6], [sflag:$0x5], $0x80, $0x38;
	[tilespmem:$0x1E678] =	vst v63  }
0x280: {  	s0 =	sadd.s32 $0xFFFFFFFF, s0;
	s6 =	smov.u32 s2;
	v0 =	vld.msk [tilespmem:s4+$0x0], $0x1  }
0x281: {  	p1 =	sne.s32 s0, $0x0;
	_ =	sdelay $0x3  }
0x282: {  	(v2sf) =	vpush v0, $0x0;
	_ =	sdelay $0xe  }
0x283: {  	s2 =	sadd.s32 $0x100, s2;
	s8 =	simm.s32 $0x0;
	s3 =	spop (v2sf)  }
.Ltmp35:
0x284: {  	s4 =	sadd.s32 $0x1, s4;
	p2 =	sgt.u32 s3, $0x27F70;
	(pc) =	sbr.rel @p1 .LBB2_42-.Ltmp35, $4  }
0x285: {  	s8 =	simm.s32 @!p2 $0x400;
	s7 =	sand.u32 @!p2 $0x3FFF8, s3;
	s9 =	sadd.s32 @!p2 $0x80, s3  }
0x286: {  	s3 =	sand.u32 @!p2 $0x7, s3;
	s7 =	sadd.s32 @!p2 s1, s7;
	s9 =	sand.u32 @!p2 $0x7FFF8, s9  }
0x287: {  	[hbm4b:s7+s3] =	stream.linear.scatter @!p2 [tilespmem:s6], [sflag:$0x5], $0x80, $0x38;
	[tilespmem:$0x1E678] =	vst v63  }
0x288: {  	s5 =	sadd.s32 s5, s8;
	s6 =	sadd.s32 @!p2 $0x80, s6;
	s7 =	sadd.s32 @!p2 s1, s9  }
.LBB2_43:
0x289: {  	[hbm4b:s7+s3] =	stream.linear.scatter @!p2 [tilespmem:s6], [sflag:$0x5], $0x80, $0x38;
	[tilespmem:$0x1E678] =	vst v63  }
0x28a: {  	s0 =	sshrl.u32 s5, $0x2  }
.LBB2_44:
0x28b: {  	s2 =	simm.s32 $0x5  }
0x28c: {  	_ =	swait.ge [sflag:s2], s0  }
0x28d: {  	s31 =	ssub.s32 $0x0, s0;
	[sflag:s2] =	ssyncset.done $0x0  }
0x28e: {  	[sflag:s2] =	ssyncadd.s32 s31  }
0x28f: {  	[sflag:s2] =	ssyncpa.u1 $0x1  }
.LBB2_45:
0x290: {  	s0 =	sor.u32 s14, s15  }
0x291: {  	p1 =	sne.s32 s0, $0x0  }
.Ltmp36:
0x292: {  	_ = 	snop;
	(pc) =	sbr.rel @p1 .LBB2_60-.Ltmp36, $3  }
0x293: {  	_ =	sdelay $0x1  }
0x294: {  	[bflag:$0x0] =	sbarrier.arrive $0xFFFF  }
0x295: {  	_ =	sfence  }
0x296: {  	s0 =	simm.s32 $0x7  }
0x297: {  	s2 =	simm.s32 $0x2000;
	s3 =	simm.s32 $0xE418;
	[sflag:s0] =	ssyncpa.u1 $0x0  }
0x298: {  	[tilespmem:s3], [sflag:$0x7] =	stream.linear.gather [spmem:s2], $0x20, $0x38;
	[tilespmem:$0x1E678] =	vst v63  }
0x299: {  	s30 =	simm.s32 $0xE438;
	s2 =	simm.s32 $0x0  }
0x29a: {  	[tilespmem:s30], [sflag:$0x7] =	stream.linear.gather [spmem:s2], $0x2000, $0x38;
	[tilespmem:$0x1E678] =	vst v63  }
.Ltmp37:
0x29b: {  	_ = 	snop;
	(pc) =	sbr.rel .LBB2_47-.Ltmp37, $4  }
0x29c: {  	_ =	swait.ge [sflag:s0], $0x2020  }
0x29d: {  	[sflag:s0] =	ssyncset.done $0x0  }
0x29e: {  	s31 =	simm.s32 $0x8;
	[sflag:s0] =	ssyncadd.s32 $0xFFFFDFE0  }
0x29f: {  	s3 =	simm.s32 $0x0;
	[sflag:s31] =	ssyncpa.u1 $0x0  }
.LBB2_53:
0x2a0: {  	p1 =	slt.u32 s0, $0x27F71  }
0x2a1: {  	s4 =	sand.u32 @p1 $0x3FFF8, s0;
	s5 =	sand.u32 @p1 $0x7, s0;
	s0 =	sadd.s32 @p1 $0x80, s0  }
0x2a2: {  	s6 =	simm.s32 @p1 $0xE308;
	s4 =	sadd.s32 @p1 s1, s4;
	s0 =	sand.u32 @p1 $0x7FFF8, s0  }
0x2a3: {  	[tilespmem:s6], [sflag:$0x8] =	stream.linear.gather @p1 [hbm4b:s4+s5], $0x80, $0x38;
	[tilespmem:$0x1E678] =	vst v63  }
0x2a4: {  	s0 =	sadd.s32 @p1 s1, s0;
	s4 =	simm.s32 @p1 $0xE388  }
0x2a5: {  	[tilespmem:s4], [sflag:$0x8] =	stream.linear.gather @p1 [hbm4b:s0+s5], $0x80, $0x38;
	[tilespmem:$0x1E678] =	vst v63  }
0x2a6: {  	s0 =	simm.s32 @p1 $0x8  }
0x2a7: {  	_ =	swait.ge @p1 [sflag:s0], $0x100  }
0x2a8: {  	[sflag:s0] =	ssyncset.done @p1 $0x0  }
0x2a9: {  	[sflag:s0] =	ssyncadd.s32 @p1 $0xFFFFFF00  }
0x2aa: {  	v1 =	vld @p1 [tilespmem:$0xE308];
	_ =	sdelay $0x2  }
0x2ab: {  	s0 =	sshll.u32 @p1 s3, $0xA  }
0x2ac: {  	s4 =	sshrl.u32 @p1 s0, $0x2  }
0x2ad: {  	[tilespmem:s4+$0xE438] =	vst.add.f32.msk @p1 $0xffff, v1  }
0x2ae: {  	v1 =	vld @p1 [tilespmem:$0xE318];
	_ =	sdelay $0x4  }
0x2af: {  	[tilespmem:s4+$0xE448] =	vst.add.f32.msk @p1 $0xffff, v1  }
0x2b0: {  	v1 =	vld @p1 [tilespmem:$0xE328];
	_ =	sdelay $0x4  }
0x2b1: {  	[tilespmem:s4+$0xE458] =	vst.add.f32.msk @p1 $0xffff, v1  }
0x2b2: {  	v1 =	vld @p1 [tilespmem:$0xE338];
	_ =	sdelay $0x4  }
0x2b3: {  	[tilespmem:s4+$0xE468] =	vst.add.f32.msk @p1 $0xffff, v1  }
0x2b4: {  	v1 =	vld @p1 [tilespmem:$0xE348];
	_ =	sdelay $0x4  }
0x2b5: {  	[tilespmem:s4+$0xE478] =	vst.add.f32.msk @p1 $0xffff, v1  }
0x2b6: {  	v1 =	vld @p1 [tilespmem:$0xE358];
	_ =	sdelay $0x4  }
0x2b7: {  	[tilespmem:s4+$0xE488] =	vst.add.f32.msk @p1 $0xffff, v1  }
0x2b8: {  	v1 =	vld @p1 [tilespmem:$0xE368];
	_ =	sdelay $0x4  }
0x2b9: {  	[tilespmem:s4+$0xE498] =	vst.add.f32.msk @p1 $0xffff, v1  }
0x2ba: {  	v1 =	vld @p1 [tilespmem:$0xE378];
	_ =	sdelay $0x4  }
0x2bb: {  	[tilespmem:s4+$0xE4A8] =	vst.add.f32.msk @p1 $0xffff, v1  }
0x2bc: {  	v1 =	vld @p1 [tilespmem:$0xE388];
	_ =	sdelay $0x4  }
0x2bd: {  	[tilespmem:s4+$0xE4B8] =	vst.add.f32.msk @p1 $0xffff, v1  }
0x2be: {  	v1 =	vld @p1 [tilespmem:$0xE398];
	_ =	sdelay $0x4  }
0x2bf: {  	[tilespmem:s4+$0xE4C8] =	vst.add.f32.msk @p1 $0xffff, v1  }
0x2c0: {  	v1 =	vld @p1 [tilespmem:$0xE3A8];
	_ =	sdelay $0x4  }
0x2c1: {  	[tilespmem:s4+$0xE4D8] =	vst.add.f32.msk @p1 $0xffff, v1  }
0x2c2: {  	v1 =	vld @p1 [tilespmem:$0xE3B8];
	_ =	sdelay $0x4  }
0x2c3: {  	[tilespmem:s4+$0xE4E8] =	vst.add.f32.msk @p1 $0xffff, v1  }
0x2c4: {  	v1 =	vld @p1 [tilespmem:$0xE3C8];
	_ =	sdelay $0x4  }
0x2c5: {  	[tilespmem:s4+$0xE4F8] =	vst.add.f32.msk @p1 $0xffff, v1  }
0x2c6: {  	v1 =	vld @p1 [tilespmem:$0xE3D8];
	_ =	sdelay $0x4  }
0x2c7: {  	[tilespmem:s4+$0xE508] =	vst.add.f32.msk @p1 $0xffff, v1  }
0x2c8: {  	v1 =	vld @p1 [tilespmem:$0xE3E8];
	_ =	sdelay $0x4  }
0x2c9: {  	[tilespmem:s4+$0xE518] =	vst.add.f32.msk @p1 $0xffff, v1  }
0x2ca: {  	v1 =	vld @p1 [tilespmem:$0xE3F8];
	_ =	sdelay $0x3  }
0x2cb: {  	s5 =	sshll.u32 @!p1 s3, $0xA  }
0x2cc: {  	s5 =	smov.u32 @p1 s0;
	[tilespmem:s4+$0xE528] =	vst.add.f32.msk @p1 $0xffff, v1  }
0x2cd: {  	s0 =	sshrl.u32 s5, $0x2;
	[tilespmem:s2+$0xE418] =	vst.msk $0x1, v0  }
0x2ce: {  	v0 =	vld [tilespmem:s0+$0xE438];
	_ =	sdelay $0x2  }
0x2cf: {  	s31 =	sshll.u32 s2, $0xA  }
0x2d0: {  	s4 =	sshra.s32 s31, $0x2  }
0x2d1: {  	[tilespmem:s4+$0xE438] =	vst v0  }
0x2d2: {  	v0 =	vld [tilespmem:s0+$0xE448];
	_ =	sdelay $0x4  }
0x2d3: {  	[tilespmem:s4+$0xE448] =	vst v0  }
0x2d4: {  	v0 =	vld [tilespmem:s0+$0xE458];
	_ =	sdelay $0x4  }
0x2d5: {  	[tilespmem:s4+$0xE458] =	vst v0  }
0x2d6: {  	v0 =	vld [tilespmem:s0+$0xE468];
	_ =	sdelay $0x4  }
0x2d7: {  	[tilespmem:s4+$0xE468] =	vst v0  }
0x2d8: {  	v0 =	vld [tilespmem:s0+$0xE478];
	_ =	sdelay $0x4  }
0x2d9: {  	[tilespmem:s4+$0xE478] =	vst v0  }
0x2da: {  	v0 =	vld [tilespmem:s0+$0xE488];
	_ =	sdelay $0x4  }
0x2db: {  	[tilespmem:s4+$0xE488] =	vst v0  }
0x2dc: {  	v0 =	vld [tilespmem:s0+$0xE498];
	_ =	sdelay $0x4  }
0x2dd: {  	[tilespmem:s4+$0xE498] =	vst v0  }
0x2de: {  	v0 =	vld [tilespmem:s0+$0xE4A8];
	_ =	sdelay $0x4  }
0x2df: {  	[tilespmem:s4+$0xE4A8] =	vst v0  }
0x2e0: {  	v0 =	vld [tilespmem:s0+$0xE4B8];
	_ =	sdelay $0x4  }
0x2e1: {  	[tilespmem:s4+$0xE4B8] =	vst v0  }
0x2e2: {  	v0 =	vld [tilespmem:s0+$0xE4C8];
	_ =	sdelay $0x4  }
0x2e3: {  	[tilespmem:s4+$0xE4C8] =	vst v0  }
0x2e4: {  	v0 =	vld [tilespmem:s0+$0xE4D8];
	_ =	sdelay $0x4  }
0x2e5: {  	[tilespmem:s4+$0xE4D8] =	vst v0  }
0x2e6: {  	v0 =	vld [tilespmem:s0+$0xE4E8];
	_ =	sdelay $0x4  }
0x2e7: {  	[tilespmem:s4+$0xE4E8] =	vst v0  }
0x2e8: {  	v0 =	vld [tilespmem:s0+$0xE4F8];
	_ =	sdelay $0x4  }
0x2e9: {  	[tilespmem:s4+$0xE4F8] =	vst v0  }
0x2ea: {  	v0 =	vld [tilespmem:s0+$0xE508];
	_ =	sdelay $0x4  }
0x2eb: {  	[tilespmem:s4+$0xE508] =	vst v0  }
0x2ec: {  	v0 =	vld [tilespmem:s0+$0xE518];
	_ =	sdelay $0x4  }
0x2ed: {  	[tilespmem:s4+$0xE518] =	vst v0  }
0x2ee: {  	v0 =	vld [tilespmem:s0+$0xE528];
	_ =	sdelay $0x4  }
0x2ef: {  	s2 =	sadd.s32 $0x1, s2;
	[tilespmem:s4+$0xE528] =	vst v0  }
.LBB2_54:
0x2f0: {  	s3 =	sadd.s32 $0x1, s3  }
0x2f1: {  	p1 =	sne.s32 s3, $0x20  }
.Ltmp38:
0x2f2: {  	_ = 	snop;
	(pc) =	sbr.rel @!p1 .LBB2_55-.Ltmp38, $1  }
0x2f3: {  	_ =	sdelay $0x3  }
.LBB2_47:
0x2f4: {  	v0 =	vld.msk [tilespmem:s3+$0xE418], $0x1;
	_ =	sdelay $0x4  }
0x2f5: {  	(v2sf) =	vpush v0, $0x0;
	_ =	sdelay $0xe  }
0x2f6: {  	s0 =	spop (v2sf)  }
0x2f7: {  	p1 =	seq.s32 s0, $0xFFFFFFFF  }
.Ltmp39:
0x2f8: {  	_ = 	snop;
	(pc) =	sbr.rel @p1 .LBB2_54-.Ltmp39, $1  }
0x2f9: {  	_ =	sdelay $0x3  }
0x2fa: {  	p1 =	slt.s32 s2, $0x1  }
.Ltmp40:
0x2fb: {  	_ = 	snop;
	(pc) =	sbr.rel @p1 .LBB2_53-.Ltmp40, $1  }
0x2fc: {  	_ =	sdelay $0x3  }
0x2fd: {  	s4 =	simm.s32 $0xE418;
	p1 =	por $0x0, $0x0  }
0x2fe: {  	v1 =	vld.msk @!p1 [tilespmem:s4+$0x0], $0x1;
	_ =	sdelay $0x4  }
0x2ff: {  	(v2sf) =	vpush @!p1 v1, $0x0;
	_ =	sdelay $0xd  }
0x300: {  	p3 =	sne.s32 s2, $0x1  }
.Ltmp41:
0x301: {  	s5 =	spop @!p1 (v2sf);
	(pc) =	sbr.rel @!p3 .LBB2_51-.Ltmp41, $4  }
0x302: {  	p2 =	seq.s32 @!p1 s0, s5  }
0x303: {  	s5 =	simm.s32 $0x0;
	p2 =	por !p2, p1  }
0x304: {  	s7 =	simm.s32 $0xFFFFFFFF;
	s5 =	simm.s32 @p2 $0xFFFFFFFF  }
0x305: {  	s6 =	simm.s32 $0x1;
	s5 =	smov.u32 @p1 s7  }
.LBB2_50:
0x306: {  	s7 =	smov.u32 s5;
	p1 =	sne.s32 s5, $0xFFFFFFFF  }
0x307: {  	s4 =	sadd.s32 $0x1, s4;
	s5 =	smov.u32 s6;
	s6 =	sadd.s32 $0x1, s6  }
0x308: {  	p2 =	sne.s32 s2, s6;
	v1 =	vld.msk @!p1 [tilespmem:s4+$0x0], $0x1;
	_ =	sdelay $0x4  }
0x309: {  	(v2sf) =	vpush @!p1 v1, $0x0;
	_ =	sdelay $0xe  }
.Ltmp42:
0x30a: {  	s8 =	spop @!p1 (v2sf);
	(pc) =	sbr.rel @p2 .LBB2_50-.Ltmp42, $4  }
0x30b: {  	p3 =	seq.s32 @!p1 s0, s8  }
0x30c: {  	p3 =	por !p3, p1  }
0x30d: {  	s5 =	simm.s32 @p3 $0xFFFFFFFF  }
0x30e: {  	s5 =	smov.u32 @p1 s7  }
.LBB2_51:
0x30f: {  	p1 =	seq.s32 s5, $0xFFFFFFFF  }
.Ltmp43:
0x310: {  	_ = 	snop;
	(pc) =	sbr.rel @p1 .LBB2_53-.Ltmp43, $1  }
0x311: {  	_ =	sdelay $0x3  }
0x312: {  	s0 =	sshll.u32 s3, $0x8  }
0x313: {  	s0 =	sand.u32 $0x3FFFFF00, s0  }
0x314: {  	v0 =	vld [tilespmem:s0+$0xE438];
	_ =	sdelay $0x2  }
0x315: {  	s4 =	sshll.u32 s5, $0xA  }
0x316: {  	s4 =	sshra.s32 s4, $0x2  }
0x317: {  	[tilespmem:s4+$0xE438] =	vst.add.f32.msk $0xffff, v0  }
0x318: {  	v0 =	vld [tilespmem:s0+$0xE448];
	_ =	sdelay $0x4  }
0x319: {  	[tilespmem:s4+$0xE448] =	vst.add.f32.msk $0xffff, v0  }
0x31a: {  	v0 =	vld [tilespmem:s0+$0xE458];
	_ =	sdelay $0x4  }
0x31b: {  	[tilespmem:s4+$0xE458] =	vst.add.f32.msk $0xffff, v0  }
0x31c: {  	v0 =	vld [tilespmem:s0+$0xE468];
	_ =	sdelay $0x4  }
0x31d: {  	[tilespmem:s4+$0xE468] =	vst.add.f32.msk $0xffff, v0  }
0x31e: {  	v0 =	vld [tilespmem:s0+$0xE478];
	_ =	sdelay $0x4  }
0x31f: {  	[tilespmem:s4+$0xE478] =	vst.add.f32.msk $0xffff, v0  }
0x320: {  	v0 =	vld [tilespmem:s0+$0xE488];
	_ =	sdelay $0x4  }
0x321: {  	[tilespmem:s4+$0xE488] =	vst.add.f32.msk $0xffff, v0  }
0x322: {  	v0 =	vld [tilespmem:s0+$0xE498];
	_ =	sdelay $0x4  }
0x323: {  	[tilespmem:s4+$0xE498] =	vst.add.f32.msk $0xffff, v0  }
0x324: {  	v0 =	vld [tilespmem:s0+$0xE4A8];
	_ =	sdelay $0x4  }
0x325: {  	[tilespmem:s4+$0xE4A8] =	vst.add.f32.msk $0xffff, v0  }
0x326: {  	v0 =	vld [tilespmem:s0+$0xE4B8];
	_ =	sdelay $0x4  }
0x327: {  	[tilespmem:s4+$0xE4B8] =	vst.add.f32.msk $0xffff, v0  }
0x328: {  	v0 =	vld [tilespmem:s0+$0xE4C8];
	_ =	sdelay $0x4  }
0x329: {  	[tilespmem:s4+$0xE4C8] =	vst.add.f32.msk $0xffff, v0  }
0x32a: {  	v0 =	vld [tilespmem:s0+$0xE4D8];
	_ =	sdelay $0x4  }
0x32b: {  	[tilespmem:s4+$0xE4D8] =	vst.add.f32.msk $0xffff, v0  }
0x32c: {  	v0 =	vld [tilespmem:s0+$0xE4E8];
	_ =	sdelay $0x4  }
0x32d: {  	[tilespmem:s4+$0xE4E8] =	vst.add.f32.msk $0xffff, v0  }
0x32e: {  	v0 =	vld [tilespmem:s0+$0xE4F8];
	_ =	sdelay $0x4  }
0x32f: {  	[tilespmem:s4+$0xE4F8] =	vst.add.f32.msk $0xffff, v0  }
0x330: {  	v0 =	vld [tilespmem:s0+$0xE508];
	_ =	sdelay $0x4  }
0x331: {  	[tilespmem:s4+$0xE508] =	vst.add.f32.msk $0xffff, v0  }
0x332: {  	v0 =	vld [tilespmem:s0+$0xE518];
	_ =	sdelay $0x4  }
0x333: {  	[tilespmem:s4+$0xE518] =	vst.add.f32.msk $0xffff, v0  }
0x334: {  	v0 =	vld [tilespmem:s0+$0xE528]  }
.Ltmp44:
0x335: {  	_ = 	snop;
	(pc) =	sbr.rel .LBB2_54-.Ltmp44, $2  }
0x336: {  	_ =	sdelay $0x2  }
0x337: {  	[tilespmem:s4+$0xE528] =	vst.add.f32.msk $0xffff, v0  }
.LBB2_55:
0x338: {  	p1 =	slt.s32 s2, $0x1  }
.Ltmp45:
0x339: {  	_ = 	snop;
	(pc) =	sbr.rel @p1 .LBB2_59-.Ltmp45, $3  }
0x33a: {  	_ =	sdelay $0x1  }
0x33b: {  	s0 =	simm.s32 $0x8  }
0x33c: {  	s4 =	simm.s32 $0x0;
	[sflag:s0] =	ssyncpa.u1 $0x1  }
0x33d: {  	s0 =	simm.s32 $0xE418  }
0x33e: {  	v0 =	vld.msk [tilespmem:s0+$0x0], $0x1;
	_ =	sdelay $0x4  }
0x33f: {  	(v2sf) =	vpush v0, $0x0;
	_ =	sdelay $0xe  }
0x340: {  	s0 =	sadd.s32 $0xFFFFFFFF, s2;
	s3 =	spop (v2sf)  }
0x341: {  	s6 =	simm.s32 $0xE438;
	p1 =	sne.s32 s0, $0x0;
	p2 =	sgt.u32 s3, $0x27F70  }
.Ltmp46:
0x342: {  	s2 =	simm.s32 $0xE538;
	s5 =	sand.u32 @!p2 $0x3FFF8, s3;
	(pc) =	sbr.rel @!p1 .LBB2_58-.Ltmp46, $4  }
0x343: {  	s7 =	sadd.s32 @!p2 $0x80, s3;
	s4 =	simm.s32 @!p2 $0x400;
	s8 =	sadd.s32 @!p2 s1, s5  }
0x344: {  	s5 =	sand.u32 @!p2 $0x7, s3;
	s3 =	simm.s32 $0xE419;
	s7 =	sand.u32 @!p2 $0x7FFF8, s7  }
0x345: {  	[hbm4b:s8+s5] =	stream.linear.scatter @!p2 [tilespmem:s6], [sflag:$0x7], $0x80, $0x38;
	[tilespmem:$0x1E678] =	vst v63  }
0x346: {  	s4 =	sadd.s32 $0x0, s4;
	s6 =	simm.s32 @!p2 $0xE4B8;
	s7 =	sadd.s32 @!p2 s1, s7  }
.LBB2_57:
0x347: {  	[hbm4b:s7+s5] =	stream.linear.scatter @!p2 [tilespmem:s6], [sflag:$0x7], $0x80, $0x38;
	[tilespmem:$0x1E678] =	vst v63  }
0x348: {  	s0 =	sadd.s32 $0xFFFFFFFF, s0;
	s6 =	smov.u32 s2;
	v0 =	vld.msk [tilespmem:s3+$0x0], $0x1  }
0x349: {  	p1 =	sne.s32 s0, $0x0;
	_ =	sdelay $0x3  }
0x34a: {  	(v2sf) =	vpush v0, $0x0;
	_ =	sdelay $0xe  }
0x34b: {  	s2 =	sadd.s32 $0x100, s2;
	s8 =	simm.s32 $0x0;
	s5 =	spop (v2sf)  }
.Ltmp47:
0x34c: {  	s3 =	sadd.s32 $0x1, s3;
	p2 =	sgt.u32 s5, $0x27F70;
	(pc) =	sbr.rel @p1 .LBB2_57-.Ltmp47, $4  }
0x34d: {  	s8 =	simm.s32 @!p2 $0x400;
	s7 =	sand.u32 @!p2 $0x3FFF8, s5;
	s9 =	sadd.s32 @!p2 $0x80, s5  }
0x34e: {  	s5 =	sand.u32 @!p2 $0x7, s5;
	s7 =	sadd.s32 @!p2 s1, s7;
	s9 =	sand.u32 @!p2 $0x7FFF8, s9  }
0x34f: {  	[hbm4b:s7+s5] =	stream.linear.scatter @!p2 [tilespmem:s6], [sflag:$0x7], $0x80, $0x38;
	[tilespmem:$0x1E678] =	vst v63  }
0x350: {  	s4 =	sadd.s32 s4, s8;
	s6 =	sadd.s32 @!p2 $0x80, s6;
	s7 =	sadd.s32 @!p2 s1, s9  }
.LBB2_58:
0x351: {  	[hbm4b:s7+s5] =	stream.linear.scatter @!p2 [tilespmem:s6], [sflag:$0x7], $0x80, $0x38;
	[tilespmem:$0x1E678] =	vst v63  }
0x352: {  	s4 =	sshrl.u32 s4, $0x2  }
.LBB2_59:
0x353: {  	s0 =	simm.s32 $0x7  }
0x354: {  	_ =	swait.ge [sflag:s0], s4  }
0x355: {  	s1 =	ssub.s32 $0x0, s4;
	[sflag:s0] =	ssyncset.done $0x0  }
0x356: {  	[sflag:s0] =	ssyncadd.s32 s1  }
0x357: {  	[sflag:s0] =	ssyncpa.u1 $0x1  }
.LBB2_60:
0x358: {  	_ =	sfence;
	s0 =	simm.s32 $0x1  }
0x359: {  	[sflag:s0] =	ssyncpa.u1 $0x1  }
0x35a: {  	_ =	strace $0x9000004D  }
0x35b: {  	[bflag:$0x2] =	sbarrier.arrive $0xFFFF  }
0x35c: {  	s0 =	rddreg [dreg:$0x3]  }
0x35d: {  	s0 =	sadd.s32 @!p0 $0x100000, s0  }
0x35e: {  	[sflag:s0] =	ssyncadd.tile.s32 @!p0 $0x1;
	_ =	shalt  }
.Lfunc_end2:
_tile_overlayer_lowered:
.L_overlay_start_2:
0x35f: {  	(tag) =	ssettag $0x2  }
0x360: {  	s0 =	rddreg [dreg:$0x0];
	s2 =	stileid.u32  }
0x361: {  	s1 =	rddreg [dreg:$0x1];
	p0 =	sne.s32 s2, $0x0  }
0x362: {  	s3 =	rddreg [dreg:$0x2];
	[bflag:$0x3] =	sbarrier.arrive $0xFFFF;
	s2 =	simm.s32 @!p0 $0x1C01  }
0x363: {  	[timem:s3], [sflag:s2] =	dma.local @!p0 [hbm:s0], s1  }
0x364: {  	s0 =	simm.s32 @!p0 $0x1  }
0x365: {  	_ =	swait.ge @!p0 [sflag:s0], s1  }
0x366: {  	s1 =	ssub.s32 @!p0 $0x0, s1;
	[sflag:s0] =	ssyncset.done @!p0 $0x0  }
0x367: {  	[sflag:s0] =	ssyncadd.s32 @!p0 s1  }
0x368: {  	[bflag:$0x3] =	sbarrier.arrive $0xFFFF  }
0x369: {  	_ =	shalt  }

// kernel: scatter_offload_async_start
scs
__scs_entry_jumppad:
0x0: {  	(pc) =	sbr.rel $0x88, $3  }
0x1: {  	(tag) =	ssettag $0x0;
	lr =	simm.s32 $0x1  }
0x2: {  	[smem:$0x3F90] =	sst lr;
	_ =	strace $0xD0000000  }
0x3: {  	_ = 	snop  }
0x4: {  	_ = 	snop  }
0x5: {  	_ = 	snop  }
0x6: {  	_ = 	snop  }
0x7: {  	_ = 	snop  }
__scs_overlays_trampoline_lowered:
0x8: {  	[smem:$0x3F9F] =	sst s0  }
0x9: {  	[smem:$0x3FA0] =	sst s1  }
0xa: {  	[smem:$0x3FA1] =	sst s2  }
0xb: {  	[smem:$0x3FA2] =	sst s3  }
0xc: {  	[smem:$0x3FA3] =	sst s4  }
0xd: {  	[smem:$0x3FA4] =	sst s5  }
0xe: {  	[smem:$0x3FA5] =	sst s6  }
0xf: {  	[smem:$0x3FA6] =	sst s7  }
0x10: {  	[smem:$0x3FA7] =	sst s8  }
0x11: {  	[smem:$0x3FA8] =	sst s9;
	s0 =	simm.s32 @!p0 $0x0  }
0x12: {  	s1 =	sld [smem:$0x3F8E];
	s0 =	simm.s32 @p0 $0x1  }
0x13: {  	[smem:$0x3FA9] =	sst s0;
	s0 =	simm.s32 @!p1 $0x0  }
0x14: {  	s2 =	sld [smem:$0x3F8D];
	s0 =	simm.s32 @p1 $0x1  }
0x15: {  	[smem:$0x3FAA] =	sst s0;
	s0 =	simm.s32 @!p2 $0x0  }
0x16: {  	s3 =	sld [smem:$0x3FDB];
	s0 =	simm.s32 @p2 $0x1  }
0x17: {  	s4 =	simm.s32 $0x1BF5;
	[smem:$0x3FAC] =	sst s0  }
0x18: {  	s0 =	sld [smem:$0x3F8F];
	_ =	swait.ge [sflag:s4], $0x0  }
0x19: {  	s7 =	sld [smem:$0x3F90]  }
0x1a: {  	s8 =	sadd.s32 $0xFFFFE003, lr  }
0x1b: {  	s9 =	sadd.s32 $0xFFFFFEF7, lr;
	s5 =	simm.s32 $0xFFFFFFFF;
	p2 =	slt.u32 s8, $0xFFFFF086  }
0x1c: {  	p1 =	slt.u32 s9, $0xF7A;
	s5 =	simm.s32 @!p2 $0x0  }
0x1d: {  	s5 =	simm.s32 @p1 $0x1;
	p0 =	seq.s32 s7, s2  }
0x1e: {  	s7 =	smul.u32 @!p0 $0xF7A, s2;
	p2 =	seq.s32 @!p0 s5, $0x0  }
0x1f: {  	s9 =	smul.u32 $0xF7A, s1;
	s8 =	simm.s32 @!p0 $0x1BF5;
	p2 =	por !p2, p0  }
0x20: {  	[sflag:s8] =	ssyncset.s32 @!p0 $0xFFFFF086;
	s6 =	sadd.s32 @!p0 s3, s7;
	s7 =	simm.s32 @!p0 $0x108  }
0x21: {  	s3 =	sadd.s32 s3, s9;
	s6 =	sadd.s32 @!p0 $0x88, s6;
	s7 =	simm.s32 @p2 $0x1082  }
0x22: {  	[simem:s7], [sflag:s8] =	dma.local @!p0 [hbm:s6], $0xF7A  }
0x23: {  	s9 =	sor.u32 $0xD0000000, s2;
	s6 =	simm.s32 $0x108;
	_ =	swait.ge @!p0 [sflag:s8], $0x0  }
0x24: {  	s3 =	sadd.s32 $0x88, s3;
	s6 =	simm.s32 @!p1 $0x1082;
	[sflag:s4] =	ssyncset.s32 $0xFFFFF086  }
0x25: {  	[simem:s6], [sflag:s4] =	dma.local [hbm:s3], $0xF7A  }
0x26: {  	[smem:$0x3F90] =	sst s1;
	(tag) =	ssettag s2;
	_ =	strace s9  }
0x27: {  	s1 =	sld [smem:$0x3FA0]  }
0x28: {  	s2 =	sld [smem:$0x3FA1]  }
0x29: {  	s4 =	sld [smem:$0x3FA3]  }
0x2a: {  	p0 =	seq.s32 s5, $0x0;
	s5 =	sld [smem:$0x3FA4]  }
0x2b: {  	s6 =	sld [smem:$0x3FA5]  }
0x2c: {  	s7 =	sld [smem:$0x3FA6]  }
0x2d: {  	s3 =	simm.s32 $0x108;
	s8 =	sld [smem:$0x3FA7]  }
0x2e: {  	s3 =	simm.s32 @!p0 $0x1082;
	s9 =	sld [smem:$0x3FA8]  }
0x2f: {  	lr =	sadd.s32 s0, s3;
	s0 =	sld [smem:$0x3F9F]  }
0x30: {  	s3 =	sld [smem:$0x3FA2]  }
0x31: {  	[smem:$0x3FAB] =	sst s10  }
0x32: {  	s10 =	sld [smem:$0x3FA9];
	_ =	sdelay $0x3  }
0x33: {  	p0 =	seq.s32 s10, $0x1;
	s10 =	sld [smem:$0x3FAB];
	_ =	sdelay $0x3  }
0x34: {  	[smem:$0x3FAB] =	sst s10  }
0x35: {  	s10 =	sld [smem:$0x3FAA];
	_ =	sdelay $0x3  }
0x36: {  	p1 =	seq.s32 s10, $0x1;
	s10 =	sld [smem:$0x3FAB];
	_ =	sdelay $0x3  }
0x37: {  	[smem:$0x3FAB] =	sst s10  }
0x38: {  	s10 =	sld [smem:$0x3FAC]  }
0x39: {  	_ = 	snop;
	(pc) =	sbr.ind lr, $3  }
0x3a: {  	_ = 	snop  }
0x3b: {  	_ = 	snop  }
0x3c: {  	p2 =	seq.s32 s10, $0x1;
	s10 =	sld [smem:$0x3FAB]  }
0x3d: {  	_ =	shalt  }
0x3e: {  	_ =	shalt  }
0x3f: {  	_ =	shalt  }
0x40: {  	_ =	shalt  }
0x41: {  	_ =	shalt  }
0x42: {  	_ =	shalt  }
0x43: {  	_ =	shalt  }
0x44: {  	_ =	shalt  }
0x45: {  	_ =	shalt  }
0x46: {  	_ =	shalt  }
0x47: {  	_ =	shalt  }
0x48: {  	_ =	shalt  }
0x49: {  	_ =	shalt  }
0x4a: {  	_ =	shalt  }
0x4b: {  	_ =	shalt  }
0x4c: {  	_ =	shalt  }
0x4d: {  	_ =	shalt  }
0x4e: {  	_ =	shalt  }
0x4f: {  	_ =	shalt  }
0x50: {  	_ =	shalt  }
0x51: {  	_ =	shalt  }
0x52: {  	_ =	shalt  }
0x53: {  	_ =	shalt  }
0x54: {  	_ =	shalt  }
0x55: {  	_ =	shalt  }
0x56: {  	_ =	shalt  }
0x57: {  	_ =	shalt  }
0x58: {  	_ =	shalt  }
0x59: {  	_ =	shalt  }
0x5a: {  	_ =	shalt  }
0x5b: {  	_ =	shalt  }
0x5c: {  	_ =	shalt  }
0x5d: {  	_ =	shalt  }
0x5e: {  	_ =	shalt  }
0x5f: {  	_ =	shalt  }
0x60: {  	_ =	shalt  }
0x61: {  	_ =	shalt  }
0x62: {  	_ =	shalt  }
0x63: {  	_ =	shalt  }
0x64: {  	_ =	shalt  }
0x65: {  	_ =	shalt  }
0x66: {  	_ =	shalt  }
0x67: {  	_ =	shalt  }
0x68: {  	_ =	shalt  }
0x69: {  	_ =	shalt  }
0x6a: {  	_ =	shalt  }
0x6b: {  	_ =	shalt  }
0x6c: {  	_ =	shalt  }
0x6d: {  	_ =	shalt  }
0x6e: {  	_ =	shalt  }
0x6f: {  	_ =	shalt  }
0x70: {  	_ =	shalt  }
0x71: {  	_ =	shalt  }
0x72: {  	_ =	shalt  }
0x73: {  	_ =	shalt  }
0x74: {  	_ =	shalt  }
0x75: {  	_ =	shalt  }
0x76: {  	_ =	shalt  }
0x77: {  	_ =	shalt  }
0x78: {  	_ =	shalt  }
0x79: {  	_ =	shalt  }
0x7a: {  	_ =	shalt  }
0x7b: {  	_ =	shalt  }
0x7c: {  	_ =	shalt  }
0x7d: {  	_ =	shalt  }
0x7e: {  	_ =	shalt  }
0x7f: {  	_ =	shalt  }
0x80: {  	_ =	shalt  }
0x81: {  	_ =	shalt  }
0x82: {  	_ =	shalt  }
0x83: {  	_ =	shalt  }
0x84: {  	_ =	shalt  }
0x85: {  	_ =	shalt  }
0x86: {  	_ =	shalt  }
0x87: {  	_ =	shalt  }
.Lfunc_end0:
.L_simem_size_0:
called_computation_lowered:
.L_overlay_start_0:
0x88: {  	s0 =	sld [smem:$0x3FD9]  }
0x89: {  	s1 =	sld [smem:$0x3FFE];
	_ =	sdelay $0x3  }
0x8a: {  	s0 =	sadd.s32 s1, s0  }
0x8b: {  	[smem:$0x3FB7] =	sst s0  }
0x8c: {  	_ = 	snop  }
0x8d: {  	(tm) =	ssettm $0x1  }
0x8e: {  	s15 =	sld [smem:$0x3FFB];
	_ =	sdelay $0x3  }
0x8f: {  	_ =	strace s15  }
0x90: {  	s0 =	sld [smem:$0x3FFC];
	_ =	sdelay $0x3  }
0x91: {  	_ =	strace s0  }
0x92: {  	s0 =	sld [smem:$0x3FFD];
	_ =	sdelay $0x3  }
0x93: {  	_ =	strace s0  }
0x94: {  	_ =	strace $0x8FFFFFFF  }
0x95: {  	s16 =	sld [smem:$0x3FDB];
	_ =	sdelay $0x1  }
0x96: {  	s17 =	simm.s32 $_scs_section_size  }
0x97: {  	s2 =	simm.s32 $_size__tile_overlayer_lowered;
	s3 =	simm.s32 $_tile_overlayer_lowered  }
0x98: {  	s20 =	simm.s32 $0x1BFF;
	s19 =	sshll.u32 s3, $0x1;
	s0 =	sadd.s32 s17, s16  }
0x99: {  	s4 =	simm.s32 $0x0;
	s18 =	sshll.u32 s2, $0x1;
	s2 =	sadd.s32 s19, s0  }
0x9a: {  	[timem:s4], [sflag:s20] =	dma.local [hbm:s2], s18  }
0x9b: {  	_ =	swait.ge [sflag:s20], s18  }
0x9c: {  	s1 =	ssub.s32 $0x0, s18;
	[sflag:s20] =	ssyncset.done $0x0  }
0x9d: {  	[sflag:s20] =	ssyncadd.s32 s1;
	_ =	sdelay $0x1  }
0x9e: {  	s21 =	simm.s32 $0x1B8B  }
0x9f: {  	_ =	swait.ge [sflag:s21], $0x1  }
0xa0: {  	[sflag:s21] =	ssyncset.done $0x0  }
0xa1: {  	s23 =	simm.s32 $0x1B8E;
	s22 =	sld [smem:$0x3FFE];
	[sflag:s21] =	ssyncadd.s32 $0xFFFFFFFF  }
0xa2: {  	s24 =	simm.s32 $execute0_lowered;
	[smem:$0x3FD2] =	sst s23  }
0xa3: {  	s2 =	sshll.u32 s24, $0x1;
	_ =	strace $0x80000049;
	[dreg:$0x1] =	wrdreg $0xFFFFFFFF  }
0xa4: {  	s25 =	simm.s32 $_size_execute0_lowered;
	s0 =	sadd.s32 s0, s2;
	[dreg:$0x0] =	wrdreg $0x0  }
0xa5: {  	s2 =	sshll.u32 s25, $0x1;
	[dreg:$0x2] =	wrdreg s0  }
0xa6: {  	[dreg:$0x3] =	wrdreg s2  }
0xa7: {  	[dreg:$0x4] =	wrdreg $0xC0  }
0xa8: {  	_ =	task [dreg:s4], $0x5FFFF  }
0xa9: {  	[dreg:$0x1] =	wrdreg $0xFFFFFFFF  }
0xaa: {  	[dreg:$0x0] =	wrdreg $0x60  }
0xab: {  	[dreg:$0x2] =	wrdreg s22  }
0xac: {  	[dreg:$0x3] =	wrdreg $0x9  }
0xad: {  	_ =	task.clear_ibuf [dreg:s4], $0x4FFFF;
	_ =	strace $0x90000049  }
0xae: {  	s26 =	simm.s32 $0x9;
	_ =	strace $0x8000004B  }
0xaf: {  	_ =	swait.ge [sflag:s26], $0x1  }
0xb0: {  	[sflag:s26] =	ssyncadd.s32 $0xFFFFFFFF  }
0xb1: {  	_ =	strace $0x9000004B  }
0xb2: {  	_ =	sfence  }
0xb3: {  	s28 =	sld [smem:$0x0];
	_ =	sdelay $0x1  }
0xb4: {  	s29 =	srdreg.scid  }
0xb5: {  	s30 =	sshll.u32 s29, $0xD;
	s31 =	sshrl.u32 s29, $0x2  }
0xb6: {  	s1 =	sand.u32 $0x1, s29;
	s2 =	sand.u32 $0x4000, s30;
	s0 =	sadd.s32 s31, s28  }
0xb7: {  	s1 =	sor.u32 s2, s1;
	s0 =	sshll.u32 s0, $0x11  }
0xb8: {  	s0 =	sor.u32 s0, s1  }
0xb9: {  	s0 =	sadd.s32 $0x8F2B, s0  }
0xba: {  	[sflag:s0] =	ssyncadd.remote.s32 $0x1  }
0xbb: {  	_ =	sfence.sel $0xFFFF  }
0xbc: {  	[dreg:$0x0] =	wrdreg $0xFFFFFFFF;
	(pc) =	sbr.abs _section_cstart, $3  }
0xbd: {  	[dreg:$0x1] =	wrdreg $0xFFFFFFFF  }
0xbe: {  	_ =	task.clear_ibuf [dreg:s4], $0x2FFFF;
	_ =	strace $0x9FFFFFFF  }
0xbf: {  	(tm) =	ssettm $0x7FFFFFFF  }
tec
execute0_lowered:
.L_overlay_start_1:
0x0: {  	(tag) =	ssettag $0x1  }
0x1: {  	s0 =	rddreg [dreg:$0x0];
	_ =	strace $0x8000004A;
	s15 =	stileid.u32  }
0x2: {  	s2 =	simm.s32 $0x1;
	s1 =	smin.u32 s15, $0x8;
	s3 =	sshll.u32 s15, $0x1  }
0x3: {  	v1 =	vimm.s32 $0xFFFFFFFF;
	[sflag:s2] =	ssyncpa.u1 $0x0;
	s1 =	sadd.s32 s1, s3  }
0x4: {  	p0 =	slt.u32 s15, $0x8;
	[tilespmem:$0x10] =	vst v1;
	s4 =	smul.u32 $0x1F40, s1;
	s1 =	simm.s32 $0x5DC0  }
0x5: {  	v0 =	vimm.f32 $0.0e+00;
	[tilespmem:$0x20] =	vst v1;
	s1 =	simm.s32 @!p0 $0x3E80  }
0x6: {  	[tilespmem:$0x30] =	vst v0;
	s1 =	sadd.s32 s1, s4  }
0x7: {  	[tilespmem:$0x40] =	vst v0;
	s5 =	smin.u32 s1, $0x4E200  }
0x8: {  	s7 =	simm.s32 $0x2;
	s8 =	simm.s32 $0x8;
	[tilespmem:$0x50] =	vst v0;
	s9 =	ssub.s32 s5, s4  }
0x9: {  	s31 =	simm.s32 $0x9;
	s16 =	simm.s32 $0x0;
	[tilespmem:$0x60] =	vst v1;
	p0 =	sgt.s32 s9, $0x0  }
0xa: {  	s17 =	simm.s32 $0xF0;
	s18 =	simm.s32 $0xFFFFFFFF;
	[tilespmem:$0x70] =	vst v1;
	s9 =	simm.s32 @!p0 $0x0  }
0xb: {  	s19 =	simm.s32 $0xFFFFC280;
	s20 =	simm.s32 $0xFFFFFFFE;
	[tilespmem:$0x80] =	vst v1;
	s30 =	smulhi.u32 $0x10624DD3, s9  }
0xc: {  	s21 =	simm.s32 $0xF;
	s25 =	simm.s32 $0x0;
	s24 =	simm.s32 $0x0;
	v1 =	vimm.s32 $0x0;
	[tilespmem:$0xB0] =	vst v0  }
0xd: {  	s6 =	sadd.s32 $0xB800, s0;
	s15 =	sshllo.u32 s15, $0x1;
	[tilespmem:$0x90] =	vst v1;
	s10 =	sshrl.u32 s30, $0x9  }
0xe: {  	[tilespmem:$0xA0] =	vst v1;
	[sflag:s7] =	ssyncpa.u1 $0x0;
	s7 =	simm.s32 $0x7;
	s11 =	smul.u32 $0x1F40, s10  }
.Ltmp0:
0xf: {  	s13 =	sor.u32 $0x80, s3;
	[sflag:s7] =	ssyncpa.u1 $0x0;
	(pc) =	sbr.rel .LBB2_1-.Ltmp0, $4  }
0x10: {  	s14 =	sor.u32 $0x81, s3;
	[sflag:s8] =	ssyncpa.u1 $0x0;
	p0 =	sne.s32 s9, s11  }
0x11: {  	s23 =	smov.u32 s4;
	s1 =	sadd.s32 $0x98A00, s0;
	s2 =	simm.s32 @!p0 $0x0  }
0x12: {  	vm0 =	vmmov $0xffff;
	v2 =	vlaneseq.u32;
	[sflag:s31] =	ssyncpa.u1 $0x0;
	s9 =	sadd.s32 $0x3E600, s0;
	s10 =	sadd.s32 s2, s10  }
0x13: {  	vm1 =	vmxor vm1, vm1;
	vm2 =	vmmov $0x1;
	vm3 =	vcmask $0x3F3C;
	p0 =	por $0x0, $0x0;
	s11 =	sadd.s32 $0x1, s10;
	s12 =	sadd.s32 $0x2, s10  }
.LBB2_9:
0x14: {  	p1 =	slt.u32 s24, $0x3  }
0x15: {  	s0 =	simm.s32 @!p1 $0x2  }
0x16: {  	_ =	swait.ge @!p1 [sflag:s0], $0x1F40  }
0x17: {  	[sflag:s0] =	ssyncset.done @!p1 $0x0  }
0x18: {  	[sflag:s0] =	ssyncadd.s32 @!p1 $0xFFFFE0C0;
	s0 =	simm.s32 @!p1 $0x9  }
0x19: {  	_ =	swait.ge @!p1 [sflag:s0], $0x10  }
0x1a: {  	[sflag:s0] =	ssyncset.done @!p1 $0x0  }
0x1b: {  	[sflag:s0] =	ssyncadd.s32 @!p1 $0xFFFFFFF0;
	p1 =	sne.s32 s24, s12  }
.Ltmp1:
0x1c: {  	s2 =	sadd.s32 $0x1F40, s23;
	(pc) =	sbr.rel @!p1 .LBB2_10-.Ltmp1, $4  }
0x1d: {  	s22 =	smov.u32 s4;
	s31 =	sadd.s32 $0x1, s24;
	s17 =	sadd.s32 $0x1F40, s17  }
0x1e: {  	s18 =	sadd.s32 $0x1, s18;
	s25 =	smov.u32 s23;
	p2 =	slt.s32 s2, s5  }
0x1f: {  	p0 =	por !p0, !p0;
	s19 =	sadd.s32 $0x1F40, s19;
	s22 =	smov.u32 @p2 s2  }
0x20: {  	s20 =	sadd.s32 $0x1, s20;
	s23 =	smov.u32 s22;
	s24 =	smov.u32 s31  }
.LBB2_1:
0x21: {  	p1 =	sge.u32 s24, s10  }
0x22: {  	s0 =	smulhi.u32 @!p1 $0xAAAAAAAB, s24;
	_ =	sdelay $0x1  }
0x23: {  	s0 =	sshrl.u32 @!p1 s0, $0x1  }
0x24: {  	s0 =	smul.u32 @!p1 $0x3, s0;
	_ =	sdelay $0x1  }
0x25: {  	s0 =	ssub.s32 @!p1 s24, s0  }
0x26: {  	s0 =	smul.u32 @!p1 $0x7D00, s0;
	_ =	sdelay $0x1  }
0x27: {  	s2 =	sshrl.u32 @!p1 s23, $0x3;
	s0 =	sshrl.u32 @!p1 s0, $0x2  }
0x28: {  	s22 =	sand.u32 @!p1 $0x7, s23;
	s2 =	sadd.s32 @!p1 s6, s2;
	s0 =	sadd.s32 @!p1 $0x100, s0  }
0x29: {  	[tilespmem:s0], [sflag:$0x7] =	stream.linear.gather @!p1 [hbm4b:s2+s22], $0x1F40, $0x38;
	[tilespmem:$0x11A60] =	vst v63  }
0x2a: {  	s0 =	sadd.s32 $0xFFFFFFFF, s24  }
0x2b: {  	p1 =	sge.u32 s0, s10  }
.Ltmp2:
0x2c: {  	_ = 	snop;
	(pc) =	sbr.rel @p1 .LBB2_5-.Ltmp2, $1  }
0x2d: {  	_ =	sdelay $0x3  }
0x2e: {  	s2 =	smulhi.u32 $0xAAAAAAAB, s0;
	_ =	sdelay $0x1  }
0x2f: {  	s2 =	sshrl.u32 s2, $0x1  }
0x30: {  	s2 =	smul.u32 $0x3, s2;
	_ =	sdelay $0x1  }
0x31: {  	s2 =	ssub.s32 s0, s2  }
0x32: {  	s2 =	smul.u32 $0x7D00, s2  }
0x33: {  	_ =	swait.ge [sflag:s7], $0x1F40  }
0x34: {  	[sflag:s7] =	ssyncset.done $0x0;
	s2 =	sshrl.u32 s2, $0x2  }
0x35: {  	[sflag:s7] =	ssyncadd.s32 $0xFFFFE0C0;
	(ifvalue) =	ssetifvalue $0xFFFFFFFF;
	v3 =	vld.msk [tilespmem:s2+$0x100 ss:$0x1], $0xffff;
	_ =	sdelay $0x2  }
0x36: {  	s30 =	smulhi.u32 $0xAAAAAAAB, s18;
	p1 =	sne.s32 s24, $0x1  }
0x37: {  	v4 =	vimm.s32 @!p1 $0x0  }
0x38: {  	s2 =	sshrl.u32 s30, $0x1;
	v4 =	vperm.xlane @!p1 v3, v4  }
0x39: {  	s22 =	sshll.u32 s24, $0x4;
	s2 =	smul.u32 $0xFFFE8900, s2;
	vm4 =	vlt.u32 v3, $0x6400000  }
0x3a: {  	s22 =	sand.u32 $0x10, s22;
	v3 =	vnsel vm4, $0xFFFFFFFE, v3;
	vm4 =	vlt.u32 @!p1 v4, $0x6400000  }
0x3b: {  	s2 =	sshra.s32 s2, $0x2;
	[tilespmem:s22+$0x60] =	vst v3;
	v3 =	vnsel @!p1 vm4, $0xFFFFFFFE, v4  }
0x3c: {  	s28 =	sadd.s32 s2, s17;
	[tilespmem:$0x80] =	vst @!p1 v3  }
0x3d: {  	v3 =	vld.msk [tilespmem:s28+$0x0 ss:$0x1], $0xffff;
	_ =	sdelay $0x4  }
0x3e: {  	(xrf1) =	vunique.msk.u32 $0xffff, v3;
	_ =	sdelay $0xd  }
0x3f: {  	v4 =	vimm.s32 $0xFFFFFFFF;
	v5, _, _ =	vpop (xrf1)  }
0x40: {  	vm5 =	vne.s32 v3, v4;
	vm4 =	veq.s32 v5, v2  }
0x41: {  	vm6 =	vlt.u32 v3, $0x6400000;
	vm4 =	vmand vm5, vm4  }
0x42: {  	vm4 =	vmand vm6, vm4  }
0x43: {  	v4 =	vnsel vm4, $0xFFFFFFFF, v3  }
0x44: {  	s31 =	sand.u32 $0x1, s0  }
0x45: {  	s0 =	simm.s32 $0x1F40;
	p1 =	seq.s32 s31, $0x1  }
0x46: {  	s0 =	simm.s32 @!p1 $0x0  }
0x47: {  	s26 =	sadd.s32 $0x7DF0, s0;
	(ifvalue) =	ssetifvalue $0xFFFFFFFF  }
0x48: {  	v3 =	vperm.xlane v3, v1;
	[tilespmem:s26], [sflag:$0x8] =	stream.indirect_vreg.gather [hbm4b:s1+s16], $0x1, v4, vm0, $0x4038;
	v4 =	vnsel vm6, $0xFFFFFFFE, v4;
	[tilespmem:$0x11A60] =	vst v63  }
0x49: {  	s2 =	simm.s32 $0x0;
	s22 =	sadd.s32 $0xFFFFFFF0, s28;
	[tilespmem:s28+$0x0] =	vst v4  }
.LBB2_3:
0x4a: {  	v4 =	vld.msk [tilespmem:s22+$0x0 ss:$0x1], $0xffff;
	s2 =	sadd.s32 $0x10, s2;
	v5 =	vmov v3;
	s28 =	smov.u32 s22  }
0x4b: {  	p1 =	slt.u32 s2, $0x1F30;
	_ =	sdelay $0x4  }
0x4c: {  	v3 =	vperm.xlane v4, v1;
	(xrf1) =	vunique.msk.u32 $0xffff, v4;
	_ =	sdelay $0xd  }
0x4d: {  	v6, _, _ =	vpop (xrf1)  }
0x4e: {  	vm5 =	vne.s32 v4, v5;
	vm4 =	veq.s32 v6, v2  }
0x4f: {  	vm6 =	vlt.u32 v4, $0x6400000;
	vm4 =	vmand vm5, vm4  }
0x50: {  	vm4 =	vmand vm6, vm4  }
0x51: {  	v4 =	vnsel vm4, $0xFFFFFFFF, v4  }
.Ltmp3:
0x52: {  	v5 =	vnsel vm6, $0xFFFFFFFE, v4;
	(pc) =	sbr.rel @p1 .LBB2_3-.Ltmp3, $3  }
0x53: {  	_ =	sdelay $0x1  }
0x54: {  	s22 =	sadd.s32 $0xFFFFFFF0, s22;
	s26 =	sadd.s32 $0xFFFFFFF0, s26;
	(ifvalue) =	ssetifvalue $0xFFFFFFFF  }
0x55: {  	[tilespmem:s26], [sflag:$0x8] =	stream.indirect_vreg.gather [hbm4b:s1+s16], $0x1, v4, vm0, $0x4038;
	[tilespmem:s28+$0x0] =	vst v5  }
0x56: {  	s2 =	sshrl.u32 s25, $0x3  }
0x57: {  	s0 =	sadd.s32 $0x9D40, s0;
	s2 =	sadd.s32 s9, s2  }
0x58: {  	[tilespmem:s0], [sflag:$0x8] =	stream.linear.gather [hbm:s2], $0x1F40, $0x38;
	[tilespmem:$0x11A60] =	vst v63  }
.LBB2_5:
0x59: {  	p1 =	slt.u32 s24, $0x2  }
0x5a: {  	p2 =	sge.u32 @!p1 s24, s12  }
0x5b: {  	p1 =	por p1, p2  }
.Ltmp4:
0x5c: {  	_ = 	snop;
	(pc) =	sbr.rel @p1 .LBB2_9-.Ltmp4, $1  }
0x5d: {  	_ =	sdelay $0x3  }
0x5e: {  	s0 =	sadd.s32 $0xFFFFFFFE, s24  }
0x5f: {  	s2 =	smulhi.u32 $0xAAAAAAAB, s0;
	_ =	sdelay $0x1  }
0x60: {  	s2 =	sshrl.u32 s2, $0x1  }
0x61: {  	s2 =	smul.u32 $0x3, s2;
	_ =	sdelay $0x1  }
0x62: {  	s0 =	ssub.s32 s0, s2  }
0x63: {  	_ =	swait.ge [sflag:s8], $0x3E80;
	s0 =	smul.u32 $0x1F40, s0  }
0x64: {  	p1 =	sne.s32 s24, s11;
	[sflag:s8] =	ssyncset.done $0x0  }
0x65: {  	[sflag:s8] =	ssyncadd.s32 $0xFFFFC180;
	s2 =	sadd.s32 @!p1 $0x203F, s0  }
0x66: {  	[spmem:s14] =	stream.linear.scatter @!p1 [tilespmem:s2], [sflag:$0x1], $0x1, $0x38;
	[tilespmem:$0x11A60] =	vst v63  }
0x67: {  	s2 =	simm.s32 @!p1 $0x1  }
0x68: {  	_ =	swait.ge @!p1 [sflag:s2], $0x1  }
0x69: {  	s22 =	sshll.u32 s24, $0x4;
	[sflag:s2] =	ssyncset.done @!p1 $0x0  }
0x6a: {  	s25 =	sand.u32 $0x10, s22;
	[sflag:s2] =	ssyncadd.s32 @!p1 $0xFFFFFFFF  }
0x6b: {  	s2 =	sxor.u32 $0x10, s25;
	v4 =	vld [tilespmem:s25+$0x10]  }
0x6c: {  	v5 =	vld [tilespmem:s2+$0x60]  }
0x6d: {  	v3 =	vld [tilespmem:$0x80];
	_ =	sdelay $0x2  }
0x6e: {  	(v2sf) =	vpush v4, $0x0  }
0x6f: {  	(v2sf) =	vpush v5, $0x0  }
0x70: {  	(v2sf) =	vpush v3, $0x0;
	_ =	sdelay $0xc  }
0x71: {  	s22 =	spop (v2sf)  }
0x72: {  	s26 =	spop (v2sf)  }
0x73: {  	s28 =	spop (v2sf)  }
0x74: {  	p2 =	seq.s32 s22, s26;
	p3 =	seq.s32 s28, s22  }
0x75: {  	p3 =	por p2, p3  }
0x76: {  	s26 =	sand.u32 $0x1, s24;
	v4 =	vpsel p3, $0xFFFFFFFF, v4  }
0x77: {  	s29 =	smul.u32 $0x1F40, s26;
	[tilespmem:s25+$0x10] =	vst.msk $0x1, v4  }
0x78: {  	v4 =	vld [tilespmem:$0x30]  }
0x79: {  	v5 =	vld [tilespmem:s29+$0x9D40]  }
0x7a: {  	v6 =	vld [tilespmem:s25+$0x40];
	_ =	sdelay $0x3  }
0x7b: {  	vm4 =	vmmov vm1;
	v5 =	vadd.f32 v5, v4  }
0x7c: {  	vm5 =	vmmov vm2;
	vm4 =	vmmov @p2 vm2;
	s22 =	sshll.u32 s26, $0x4;
	v4 =	vadd.f32 v6, v4  }
0x7d: {  	s26 =	sor.u32 $0x11A40, s22;
	vm5 =	vmmov @p3 vm1;
	[tilespmem:s29+$0x9D40] =	vst.msk vm4, v5  }
0x7e: {  	[tilespmem:s26+$0x0] =	vst.msk vm5, v4  }
0x7f: {  	v4 =	vld [tilespmem:s29+$0x7DF0];
	_ =	sdelay $0x3  }
0x80: {  	v5 =	vimm.f32 $0.0e+00  }
0x81: {  	v4 =	vshift.insert v4, v5, s21  }
0x82: {  	s22 =	sor.u32 $0x40, s2  }
0x83: {  	[tilespmem:s22+$0x0] =	vst.msk $0x1, v4  }
0x84: {  	[tilespmem:s29+$0x7DFF] =	vst.msk $0x1, v5  }
0x85: {  	v4 =	vld [tilespmem:s0+$0x2030];
	_ =	sdelay $0x1  }
0x86: {  	s22 =	smulhi.u32 $0xAAAAAAAB, s20;
	s0 =	simm.s32 $0x1  }
0x87: {  	s0 =	simm.s32 @!p0 $0x0  }
0x88: {  	s22 =	sshrl.u32 s22, $0x1;
	s0 =	smul.u32 $0x7D00, s0  }
0x89: {  	s22 =	smul.u32 $0xFFFE8900, s22;
	v4 =	vshift.insert v4, v1, s21  }
0x8a: {  	s0 =	sshrl.u32 s0, $0x2  }
0x8b: {  	s22 =	sshra.s32 s22, $0x2;
	s30 =	sadd.s32 $0x9D40, s0;
	[tilespmem:s2+$0x10] =	vst.msk $0x1, v4  }
0x8c: {  	s22 =	sadd.s32 s22, s19;
	v6 =	vld [tilespmem:s30+$0x0]  }
0x8d: {  	v7 =	vld [tilespmem:s22+$0x0];
	_ =	sdelay $0x3  }
0x8e: {  	v5 =	vadd.f32 v6, v5  }
0x8f: {  	vm4 =	vne.s32 v7, $0xFFFFFFFF  }
0x90: {  	(xrf2) =	vadd.seg.scan.f32 vm4, v5;
	_ =	sdelay $0x3  }
0x91: {  	s31 =	sadd.s32 $0x5EC0, s0;
	v5 =	vperm.xlane v4, v1  }
0x92: {  	v6 =	vld [tilespmem:s31+$0x0]  }
0x93: {  	vm5 =	veq.s32 v7, v3;
	vm6 =	veq.s32 v7, v5  }
0x94: {  	vm7 =	vgt.u32 v7, $0xFFFFFFFD;
	vm6 =	vmor vm6, vm5  }
0x95: {  	vm6 =	vmor vm6, vm7  }
0x96: {  	v9 =	vld [tilespmem:$0xA0];
	v7 =	vsel vm6, $0xFFFFFFFF, v7  }
0x97: {  	v10 =	vld [tilespmem:$0x90];
	v6 =	vsel vm5, $0x0, v6;
	v8, _, _ =	vpop (xrf2)  }
0x98: {  	v6 =	vadd.f32 v8, v6  }
0x99: {  	s0 =	sadd.s32 $0xDBC0, s0  }
0x9a: {  	vm4 =	vmand vm4, vm3;
	[tilespmem:s0+$0x0] =	vst v6;
	(ifvalue) =	ssetifvalue $0xFFFFFFFF  }
0x9b: {  	vm6 =	veq.s32 v9, $0x1;
	[hbm4b:s1+s16] =	stream.indirect_vreg.scatter [tilespmem:s0], [sflag:$0x2], $0x1, v7, vm0, $0x4038;
	v7 =	vsel vm4, $0x0, v8;
	[tilespmem:$0x11A60] =	vst v63  }
0x9c: {  	s2 =	simm.s32 $0x0;
	s22 =	sadd.s32 $0x10, s22;
	vm4 =	vmor vm6, vm5;
	v6 =	vsel vm5, v8, v10;
	v7 =	vshift.insert v7, v0, s21  }
.LBB2_7:
0x9d: {  	v8 =	vld [tilespmem:s22+$0x0];
	s30 =	sadd.s32 $0x10, s30  }
0x9e: {  	s31 =	sadd.s32 $0x10, s31;
	v9 =	vld [tilespmem:s30+$0x0]  }
0x9f: {  	s2 =	sadd.s32 $0x10, s2;
	v10 =	vld [tilespmem:s31+$0x0]  }
0xa0: {  	p2 =	slt.u32 s2, $0x1F30;
	_ =	sdelay $0x2  }
0xa1: {  	v7 =	vadd.f32 v9, v7  }
0xa2: {  	vm5 =	vne.s32 v8, $0xFFFFFFFF  }
0xa3: {  	vm6 =	vmand vm5, vm3;
	(xrf2) =	vadd.seg.scan.f32 vm5, v7;
	_ =	sdelay $0x5  }
0xa4: {  	vm7 =	veq.s32 v8, v5;
	vm5 =	veq.s32 v8, v3  }
0xa5: {  	vm8 =	vgt.u32 v8, $0xFFFFFFFD;
	vm4 =	vmor vm4, vm5;
	vm7 =	vmor vm7, vm5  }
0xa6: {  	vm7 =	vmor vm7, vm8  }
0xa7: {  	v8 =	vsel vm7, $0xFFFFFFFF, v8  }
.Ltmp5:
0xa8: {  	v7 =	vsel vm5, $0x0, v10;
	v9, _, _ =	vpop (xrf2);
	(pc) =	sbr.rel @p2 .LBB2_7-.Ltmp5, $4  }
0xa9: {  	v6 =	vsel vm5, v9, v6;
	v10 =	vadd.f32 v9, v7;
	v7 =	vsel vm6, $0x0, v9  }
0xaa: {  	s0 =	sadd.s32 $0x10, s0;
	v7 =	vshift.insert v7, v0, s21  }
0xab: {  	s22 =	sadd.s32 $0x10, s22;
	[tilespmem:s0+$0x0] =	vst v10;
	(ifvalue) =	ssetifvalue $0xFFFFFFFF  }
0xac: {  	[hbm4b:s1+s16] =	stream.indirect_vreg.scatter [tilespmem:s0], [sflag:$0x2], $0x1, v8, vm0, $0x4038;
	[tilespmem:$0x11A60] =	vst v63  }
0xad: {  	v3 =	vld [tilespmem:s29+$0xFAF0];
	_ =	sdelay $0x4  }
0xae: {  	v3 =	vshift.insert v3, v0, s21  }
0xaf: {  	s0 =	simm.s32 $0x30  }
0xb0: {  	[tilespmem:s0+$0x0] =	vst.msk $0x1, v3  }
0xb1: {  	v3 =	vsel vm4, $0x1, v1;
	[tilespmem:$0x90] =	vst v6  }
0xb2: {  	s0 =	sadd.s32 @!p1 $0xFAFF, s29;
	[tilespmem:$0xA0] =	vst v3  }
0xb3: {  	[spmem:s15] =	stream.linear.scatter @!p1 [tilespmem:s0], [sflag:$0x1], $0x1, $0x38;
	[tilespmem:$0x11A60] =	vst v63  }
0xb4: {  	s0 =	simm.s32 @!p1 $0x1  }
0xb5: {  	v3 =	vmctz.xlane @!p1 vm4;
	_ =	swait.ge @!p1 [sflag:s0], $0x1  }
0xb6: {  	(v2sf) =	vpush @!p1 v4, $0x0  }
0xb7: {  	(v2sf) =	vpush @!p1 v3, $0x0;
	_ =	sdelay $0xd  }
0xb8: {  	s2 =	spop @!p1 (v2sf)  }
0xb9: {  	s22 =	spop @!p1 (v2sf)  }
0xba: {  	p2 =	sne.s32 @!p1 s28, s2;
	p3 =	slt.s32 @!p1 s22, $0xF  }
0xbb: {  	[sflag:s0] =	ssyncset.done @!p1 $0x0;
	p2 =	por p2, p1;
	p3 =	por !p3, p1  }
0xbc: {  	[sflag:s0] =	ssyncadd.s32 @!p1 $0xFFFFFFFF;
	v3 =	vimm.s32 @!p2 $0xFFFFFFFF;
	s22 =	simm.s32 @p3 $0xF  }
0xbd: {  	[tilespmem:$0x80] =	vst @!p2 v3;
	s2 =	sadd.s32 @!p1 $0x90, s22  }
0xbe: {  	[spmem:s3] =	stream.linear.scatter @!p1 [tilespmem:s2], [sflag:$0x1], $0x1, $0x38;
	[tilespmem:$0x11A60] =	vst v63  }
0xbf: {  	_ =	swait.ge @!p1 [sflag:s0], $0x1  }
0xc0: {  	[sflag:s0] =	ssyncset.done @!p1 $0x0  }
0xc1: {  	s2 =	simm.s32 @!p1 $0x80;
	[sflag:s0] =	ssyncadd.s32 @!p1 $0xFFFFFFFF  }
0xc2: {  	[spmem:s13] =	stream.linear.scatter @!p1 [tilespmem:s2], [sflag:$0x1], $0x1, $0x38;
	[tilespmem:$0x11A60] =	vst v63  }
0xc3: {  	_ =	swait.ge @!p1 [sflag:s0], $0x1  }
0xc4: {  	[sflag:s0] =	ssyncset.done @!p1 $0x0  }
0xc5: {  	[sflag:s0] =	ssyncadd.s32 @!p1 $0xFFFFFFFF;
	(ifvalue) =	ssetifvalue $0xFFFFFFFF;
	v3 =	vld [tilespmem:s25+$0x10];
	_ =	sdelay $0x3  }
.Ltmp6:
0xc6: {  	_ = 	snop;
	(pc) =	sbr.rel .LBB2_9-.Ltmp6, $3  }
0xc7: {  	_ =	sdelay $0x1  }
0xc8: {  	(ifvalue) =	ssetifvalue $0xFFFFFFFF  }
0xc9: {  	[hbm4b:s1+s16] =	stream.indirect_vreg.scatter [tilespmem:s26], [sflag:$0x9], $0x1, v3, vm0, $0x4038;
	[tilespmem:$0x11A60] =	vst v63  }
.LBB2_10:
0xca: {  	_ =	sfence.sel $0x180000  }
0xcb: {  	s0 =	simm.s32 $0x7;
	[bflag:$0x0] =	sbarrier.arrive $0xFFFF  }
0xcc: {  	s26 =	simm.s32 $0x8;
	[sflag:s0] =	ssyncpa.u1 $0x1  }
0xcd: {  	s28 =	simm.s32 $0x9;
	[sflag:s26] =	ssyncpa.u1 $0x1  }
0xce: {  	[sflag:s28] =	ssyncpa.u1 $0x1  }
0xcf: {  	_ =	sfence.stream.spmem  }
0xd0: {  	s29 =	simm.s32 $0x3;
	[bflag:$0x0] =	sbarrier.arrive $0xFFFF  }
0xd1: {  	s30 =	simm.s32 $0x4;
	[sflag:s29] =	ssyncpa.u1 $0x1  }
0xd2: {  	s31 =	simm.s32 $0x3C;
	s2 =	stileid.u32;
	[sflag:s30] =	ssyncpa.u1 $0x1  }
0xd3: {  	p0 =	sne.s32 s2, $0x0;
	[sflag:s31] =	ssyncpa.u1 $0x1  }
0xd4: {  	s0 =	simm.s32 @p0 $0x1;
	_ =	sfence @p0  }
0xd5: {  	[sflag:s0] =	ssyncpa.u1 @p0 $0x1;
	s0 =	simm.s32 @p0 $0x2  }
0xd6: {  	[sflag:s0] =	ssyncpa.u1 @p0 $0x1  }
0xd7: {  	_ =	strace @p0 $0x9000004A  }
0xd8: {  	[bflag:$0x2] =	sbarrier.arrive @p0 $0xFFFF  }
0xd9: {  	_ =	shalt @p0  }
.LBB2_11:
0xda: {  	_ =	sfence.stream.spmem;
	s0 =	simm.s32 $0x5  }
0xdb: {  	s2 =	simm.s32 $0x80;
	s3 =	simm.s32 $0xC0;
	[sflag:s0] =	ssyncpa.u1 $0x0  }
0xdc: {  	[tilespmem:s3], [sflag:$0x5] =	stream.linear.gather [spmem:s2], $0x20, $0x38;
	[tilespmem:$0x11A60] =	vst v63  }
0xdd: {  	s2 =	simm.s32 $0x0;
	s3 =	simm.s32 $0xE0  }
0xde: {  	[tilespmem:s3], [sflag:$0x5] =	stream.linear.gather [spmem:s2], $0x20, $0x38;
	[tilespmem:$0x11A60] =	vst v63  }
.Ltmp7:
0xdf: {  	_ = 	snop;
	(pc) =	sbr.rel .LBB2_12-.Ltmp7, $4  }
0xe0: {  	_ =	swait.ge [sflag:s0], $0x40  }
0xe1: {  	[sflag:s0] =	ssyncset.done $0x0  }
0xe2: {  	s31 =	simm.s32 $0x6;
	[sflag:s0] =	ssyncadd.s32 $0xFFFFFFC0  }
0xe3: {  	s4 =	simm.s32 $0x0;
	[sflag:s31] =	ssyncpa.u1 $0x0  }
.LBB2_17:
0xe4: {  	p0 =	sgt.u32 s5, $0x63FFFFF  }
0xe5: {  	s0 =	sshrl.u32 @!p0 s5, $0x3  }
0xe6: {  	s5 =	sand.u32 @!p0 $0x7, s5;
	s6 =	simm.s32 @!p0 $0xB0;
	s0 =	sadd.s32 @!p0 s1, s0  }
0xe7: {  	[tilespmem:s6], [sflag:$0x6] =	stream.linear.gather @!p0 [hbm4b:s0+s5], $0x1, $0x38;
	[tilespmem:$0x11A60] =	vst v63  }
0xe8: {  	s0 =	simm.s32 @!p0 $0x6  }
0xe9: {  	_ =	swait.ge @!p0 [sflag:s0], $0x1  }
0xea: {  	[sflag:s0] =	ssyncset.done @!p0 $0x0  }
0xeb: {  	[sflag:s0] =	ssyncadd.s32 @!p0 $0xFFFFFFFF  }
0xec: {  	v2 =	vmov @!p0 s4;
	v1 =	vld.msk @!p0 [tilespmem:$0xB0], $0x1;
	_ =	sdelay $0x3  }
0xed: {  	s0 =	simm.s32 @!p0 $0xE0  }
0xee: {  	[tilespmem:v2+s0+$0x0], v1 =	vst.idx.ret.add.f32.msk @!p0 $0x1, v1  }
0xef: {  	[tilespmem:s2+$0xC0] =	vst.msk $0x1, v0  }
0xf0: {  	v0 =	vld.msk [tilespmem:s4+$0xE0], $0x1;
	_ =	sdelay $0x4  }
0xf1: {  	[tilespmem:s2+$0xE0] =	vst.msk $0x1, v0;
	s2 =	sadd.s32 $0x1, s2  }
.LBB2_19:
0xf2: {  	s4 =	sadd.s32 $0x1, s4  }
0xf3: {  	p0 =	sne.s32 s4, $0x20  }
.Ltmp8:
0xf4: {  	_ = 	snop;
	(pc) =	sbr.rel @!p0 .LBB2_20-.Ltmp8, $1  }
0xf5: {  	_ =	sdelay $0x3  }
.LBB2_12:
0xf6: {  	v0 =	vld.msk [tilespmem:s4+$0xC0], $0x1;
	_ =	sdelay $0x4  }
0xf7: {  	(v2sf) =	vpush v0, $0x0;
	_ =	sdelay $0xe  }
0xf8: {  	s5 =	spop (v2sf)  }
0xf9: {  	p0 =	seq.s32 s5, $0xFFFFFFFF  }
.Ltmp9:
0xfa: {  	_ = 	snop;
	(pc) =	sbr.rel @p0 .LBB2_19-.Ltmp9, $1  }
0xfb: {  	_ =	sdelay $0x3  }
0xfc: {  	p0 =	slt.s32 s2, $0x1  }
.Ltmp10:
0xfd: {  	_ = 	snop;
	(pc) =	sbr.rel @p0 .LBB2_17-.Ltmp10, $1  }
0xfe: {  	_ =	sdelay $0x3  }
0xff: {  	s0 =	simm.s32 $0xC0;
	p0 =	por $0x0, $0x0  }
0x100: {  	v1 =	vld.msk @!p0 [tilespmem:s0+$0x0], $0x1;
	_ =	sdelay $0x4  }
0x101: {  	(v2sf) =	vpush @!p0 v1, $0x0;
	_ =	sdelay $0xd  }
0x102: {  	p2 =	sne.s32 s2, $0x1  }
.Ltmp11:
0x103: {  	s6 =	spop @!p0 (v2sf);
	(pc) =	sbr.rel @!p2 .LBB2_16-.Ltmp11, $4  }
0x104: {  	p1 =	seq.s32 @!p0 s5, s6  }
0x105: {  	s6 =	simm.s32 $0x0;
	p1 =	por !p1, p0  }
0x106: {  	s8 =	simm.s32 $0xFFFFFFFF;
	s6 =	simm.s32 @p1 $0xFFFFFFFF  }
0x107: {  	s7 =	simm.s32 $0x1;
	s6 =	smov.u32 @p0 s8  }
.LBB2_15:
0x108: {  	s8 =	smov.u32 s6;
	p0 =	sne.s32 s6, $0xFFFFFFFF  }
0x109: {  	s0 =	sadd.s32 $0x1, s0;
	s6 =	smov.u32 s7;
	s7 =	sadd.s32 $0x1, s7  }
0x10a: {  	p1 =	sne.s32 s2, s7;
	v1 =	vld.msk @!p0 [tilespmem:s0+$0x0], $0x1;
	_ =	sdelay $0x4  }
0x10b: {  	(v2sf) =	vpush @!p0 v1, $0x0;
	_ =	sdelay $0xe  }
.Ltmp12:
0x10c: {  	s9 =	spop @!p0 (v2sf);
	(pc) =	sbr.rel @p1 .LBB2_15-.Ltmp12, $4  }
0x10d: {  	p2 =	seq.s32 @!p0 s5, s9  }
0x10e: {  	p2 =	por !p2, p0  }
0x10f: {  	s6 =	simm.s32 @p2 $0xFFFFFFFF  }
0x110: {  	s6 =	smov.u32 @p0 s8  }
.LBB2_16:
0x111: {  	p0 =	sne.s32 s6, $0xFFFFFFFF  }
.Ltmp13:
0x112: {  	_ = 	snop;
	(pc) =	sbr.rel @!p0 .LBB2_17-.Ltmp13, $1  }
0x113: {  	_ =	sdelay $0x3  }
0x114: {  	v0 =	vld.msk [tilespmem:s4+$0xE0], $0x1;
	v1 =	vmov s6  }
.Ltmp14:
0x115: {  	_ = 	snop;
	(pc) =	sbr.rel .LBB2_19-.Ltmp14, $2  }
0x116: {  	_ =	sdelay $0x2  }
0x117: {  	[tilespmem:v1+s3+$0x0], v0 =	vst.idx.ret.add.f32.msk $0x1, v0  }
.LBB2_20:
0x118: {  	p0 =	slt.s32 s2, $0x1  }
.Ltmp15:
0x119: {  	_ = 	snop;
	(pc) =	sbr.rel @p0 .LBB2_24-.Ltmp15, $3  }
0x11a: {  	_ =	sdelay $0x1  }
0x11b: {  	s0 =	simm.s32 $0x6  }
0x11c: {  	s3 =	simm.s32 $0x0;
	[sflag:s0] =	ssyncpa.u1 $0x1  }
0x11d: {  	s0 =	simm.s32 $0xC0  }
0x11e: {  	v0 =	vld.msk [tilespmem:s0+$0x0], $0x1;
	_ =	sdelay $0x4  }
0x11f: {  	(v2sf) =	vpush v0, $0x0;
	_ =	sdelay $0xe  }
0x120: {  	s2 =	sadd.s32 $0xFFFFFFFF, s2;
	s4 =	spop (v2sf)  }
0x121: {  	p1 =	sne.s32 s2, $0x0;
	p0 =	sgt.u32 s4, $0x63FFFFF  }
.Ltmp16:
0x122: {  	s5 =	sshrl.u32 @!p0 s4, $0x3;
	(pc) =	sbr.rel @!p1 .LBB2_23-.Ltmp16, $4  }
0x123: {  	s0 =	simm.s32 $0xE0;
	s4 =	sand.u32 @!p0 $0x7, s4;
	s5 =	sadd.s32 @!p0 s1, s5  }
0x124: {  	[hbm4b:s5+s4] =	stream.linear.scatter @!p0 [tilespmem:s0], [sflag:$0x5], $0x1, $0x38;
	[tilespmem:$0x11A60] =	vst v63  }
0x125: {  	s5 =	simm.s32 $0x0  }
0x126: {  	s4 =	simm.s32 $0xC1;
	s5 =	simm.s32 @!p0 $0x4  }
.LBB2_22:
0x127: {  	v0 =	vld.msk [tilespmem:s4+$0x0], $0x1;
	s2 =	sadd.s32 $0xFFFFFFFF, s2;
	s3 =	sadd.s32 s3, s5  }
0x128: {  	p0 =	sne.s32 s2, $0x0;
	_ =	sdelay $0x3  }
0x129: {  	(v2sf) =	vpush v0, $0x0;
	_ =	sdelay $0xe  }
.Ltmp17:
0x12a: {  	s6 =	spop (v2sf);
	(pc) =	sbr.rel @p0 .LBB2_22-.Ltmp17, $4  }
0x12b: {  	s5 =	simm.s32 $0x0;
	p1 =	sgt.u32 s6, $0x63FFFFF  }
0x12c: {  	s0 =	sadd.s32 $0x1, s0;
	s5 =	simm.s32 @!p1 $0x4;
	s7 =	sshrl.u32 @!p1 s6, $0x3  }
0x12d: {  	s4 =	sadd.s32 $0x1, s4;
	s6 =	sand.u32 @!p1 $0x7, s6;
	s7 =	sadd.s32 @!p1 s1, s7  }
0x12e: {  	[hbm4b:s7+s6] =	stream.linear.scatter @!p1 [tilespmem:s0], [sflag:$0x5], $0x1, $0x38;
	[tilespmem:$0x11A60] =	vst v63  }
.LBB2_23:
0x12f: {  	s0 =	sadd.s32 s3, s5  }
0x130: {  	s3 =	sshrl.u32 s0, $0x2  }
.LBB2_24:
0x131: {  	s0 =	simm.s32 $0x5  }
0x132: {  	_ =	swait.ge [sflag:s0], s3  }
0x133: {  	s1 =	ssub.s32 $0x0, s3;
	[sflag:s0] =	ssyncset.done $0x0  }
0x134: {  	[sflag:s0] =	ssyncadd.s32 s1  }
0x135: {  	[sflag:s0] =	ssyncpa.u1 $0x1  }
0x136: {  	s29 =	simm.s32 $0x1;
	_ =	sfence  }
0x137: {  	s30 =	simm.s32 $0x2;
	[sflag:s29] =	ssyncpa.u1 $0x1  }
0x138: {  	[sflag:s30] =	ssyncpa.u1 $0x1  }
0x139: {  	_ =	strace $0x9000004A  }
0x13a: {  	[bflag:$0x2] =	sbarrier.arrive $0xFFFF  }
0x13b: {  	s31 =	rddreg [dreg:$0x1]  }
0x13c: {  	s0 =	sadd.s32 $0x100000, s31  }
0x13d: {  	[sflag:s0] =	ssyncadd.tile.s32 $0x1;
	_ =	shalt  }
.Lfunc_end2:
_tile_overlayer_lowered:
.L_overlay_start_2:
0x13e: {  	(tag) =	ssettag $0x2  }
0x13f: {  	s0 =	rddreg [dreg:$0x0];
	s2 =	stileid.u32  }
0x140: {  	s1 =	rddreg [dreg:$0x1];
	p0 =	sne.s32 s2, $0x0  }
0x141: {  	s3 =	rddreg [dreg:$0x2];
	[bflag:$0x3] =	sbarrier.arrive $0xFFFF;
	s2 =	simm.s32 @!p0 $0x1C01  }
0x142: {  	[timem:s3], [sflag:s2] =	dma.local @!p0 [hbm:s0], s1  }
0x143: {  	s0 =	simm.s32 @!p0 $0x1  }
0x144: {  	_ =	swait.ge @!p0 [sflag:s0], s1  }
0x145: {  	s1 =	ssub.s32 @!p0 $0x0, s1;
	[sflag:s0] =	ssyncset.done @!p0 $0x0  }
0x146: {  	[sflag:s0] =	ssyncadd.s32 @!p0 s1  }
0x147: {  	[bflag:$0x3] =	sbarrier.arrive $0xFFFF  }
0x148: {  	_ =	shalt  }

</sc_bundles>
